<compile_context>
chip_gen: v7x
topology: tpu7x:2x2x1
jax: 0.10.2.dev20260603
libtpu: 0.0.44.dev20260713+nightly
codegen_flags: <defaults>
</compile_context>

<pallas_src>
import functools
import jax
import jax.numpy as jnp
from jax.experimental import pallas as pl
from jax.experimental.pallas import tpu as pltpu
from jax.experimental.pallas import tpu_sc as plsc


def kernel(x, emb_table):
    B, T, D = x.shape
    BR = 16
    NT = T // BR
    L = 16
    blk = BR * D

    xf = x.reshape(B * T * D)
    ef = emb_table.reshape(T * D)

    mesh = plsc.VectorSubcoreMesh(core_axis_name="c", subcore_axis_name="s")

    @functools.partial(
        pl.kernel,
        out_type=jax.ShapeDtypeStruct((B * T * D,), x.dtype),
        mesh=mesh,
    )
    def sc_add(x_hbm, e_hbm, o_hbm):
        def body(x_v, e_v, o_v):
            @pl.loop(0, blk, step=L)
            def _(c):
                o_v.at[pl.ds(c, L)][...] = (
                    x_v.at[pl.ds(c, L)][...] + e_v.at[pl.ds(c, L)][...]
                )

        pltpu.emit_pipeline(
            body,
            grid=(NT, B),
            in_specs=[
                pl.BlockSpec((blk,), index_map=lambda t, b: (b * NT + t,)),
                pl.BlockSpec((blk,), index_map=lambda t, b: (t,)),
            ],
            out_specs=[pl.BlockSpec((blk,), index_map=lambda t, b: (b * NT + t,))],
            core_axis_name=("c", "s"),
            dimension_semantics=(pltpu.PARALLEL, pltpu.PARALLEL),
        )(x_hbm, e_hbm, o_hbm)

    return sc_add(xf, ef).reshape(B, T, D)

# --- scband reference (transcript-rebuilt; emitter-appended) ---
"""Pipeline reference for scband-position-embedding-49727131353888 (READ-ONLY COPY).

The authoritative reference and input builder live on the scoring server;
editing this copy changes nothing except your own understanding.
"""

import jax, jax.numpy as jnp
import numpy as np


def setup_inputs(seed: int = 0) -> dict:
    key = jax.random.key(seed)
    k1, k2 = jax.random.split(key)
    x = jax.random.normal(k1, (4, 8192, 1024), dtype=jnp.float32)
    # Embedding table for positions, sized per init_kwargs (max_len, d_model).
    emb_table = jax.random.uniform(k2, (8192, 1024), dtype=jnp.float32, minval=-0.05, maxval=0.05)
    return {"x": x, "emb_table": emb_table}


def reference(x, emb_table):
    # Faithful translation of PositionEmbedding.call:
    # pos = range(T); pos_emb = emb(pos); out = x + pos_emb[None]
    T = x.shape[1]
    pos = jnp.arange(T, dtype=jnp.int32)
    pos_emb = jnp.take(emb_table, pos, axis=0)  # gather -> [T, d_model]
    pos_emb = jnp.expand_dims(pos_emb, 0)       # [1, T, d_model]
    return x + pos_emb

if __name__ == "__main__":
    import jax
    _d = setup_inputs()
    print(jax.jit(kernel)(*tuple(_d.values())))

</pallas_src>

<mosaic_0001>
#map = affine_map<(d0, d1) -> (0)>
module attributes {stable_mosaic.version = 14 : i64} {
  func.func @sc_add(%arg0: i32, %arg1: i32, %arg2: memref<33554432xf32, #tpu.memory_space<hbm>>, %arg3: memref<8388608xf32, #tpu.memory_space<hbm>>, %arg4: memref<33554432xf32, #tpu.memory_space<hbm>>) attributes {dimension_semantics = [#tpu.dimension_semantics<core_parallel>, #tpu.dimension_semantics<subcore_parallel>], iteration_bounds = array<i64: 2, 16>, scalar_prefetch = 0 : i64, scratch_operands = 0 : i64, tpu.core_type = #tpu.core_type<sc_vector_subcore>, window_params = [{transform_indices = #map}, {transform_indices = #map}, {transform_indices = #map}]} {
    %mul3A = arith.constant 1 : i32
    %mul3A_0 = arith.muli %arg1, %mul3A : i32
    %add3A = arith.constant 0 : i32
    %add3A_1 = arith.addi %add3A, %mul3A_0 : i32
    %mul3A_2 = arith.constant 16 : i32
    %mul3A_3 = arith.muli %arg0, %mul3A_2 : i32
    %add3A_4 = arith.addi %add3A_1, %mul3A_3 : i32
    %mul3A_5 = arith.constant 16 : i32
    %mul3A_6 = arith.muli %add3A_4, %mul3A_5 : i32
    "tpu.region"() ({
      %run_scoped3A = memref.alloca() : memref<32768xf32, #tpu.memory_space<vmem>>
      %run_scoped3A_7 = tpu.sem_alloc : memref<2x!tpu.dma_semaphore, #tpu.memory_space<semaphore_mem>>
      %run_scoped3A_8 = memref.alloca() : memref<32768xf32, #tpu.memory_space<vmem>>
      %run_scoped3A_9 = tpu.sem_alloc : memref<2x!tpu.dma_semaphore, #tpu.memory_space<semaphore_mem>>
      %run_scoped3A_10 = memref.alloca() : memref<32768xf32, #tpu.memory_space<vmem>>
      %run_scoped3A_11 = tpu.sem_alloc : memref<2x!tpu.dma_semaphore, #tpu.memory_space<semaphore_mem>>
      %add3A_12 = arith.constant 0 : i32
      %add3A_13 = arith.addi %add3A_12, %mul3A_6 : i32
      %select_n3A = arith.constant true
      %select_n3A_14 = arith.constant 0 : i32
      %select_n3A_15 = arith.constant -1 : i32
      %select_n3A_16 = arith.select %select_n3A, %select_n3A_15, %select_n3A_14 : i32
      %eq3A = arith.constant -1 : i32
      %eq3A_17 = arith.cmpi eq, %select_n3A_16, %eq3A : i32
      %select_n3A_18 = arith.constant 3 : i32
      %select_n3A_19 = arith.select %eq3A_17, %select_n3A_18, %select_n3A_16 : i32
      %select_n3A_20 = arith.constant 0 : i32
      %select_n3A_21 = arith.constant -1 : i32
      %select_n3A_22 = arith.select %eq3A_17, %select_n3A_21, %select_n3A_20 : i32
      %eq3A_23 = arith.constant -1 : i32
      %eq3A_24 = arith.cmpi eq, %select_n3A_22, %eq3A_23 : i32
      %select_n3A_25 = arith.constant 15 : i32
      %select_n3A_26 = arith.select %eq3A_24, %select_n3A_25, %select_n3A_22 : i32
      %add3A_27 = arith.addi %select_n3A_26, %mul3A_6 : i32
      %add3A_28 = arith.constant 0 : i32
      %add3A_29 = arith.addi %select_n3A_19, %add3A_28 : i32
      %select_n3A_30 = arith.constant true
      %select_n3A_31 = arith.constant 0 : i32
      %select_n3A_32 = arith.constant 1 : i32
      %select_n3A_33 = arith.select %select_n3A_30, %select_n3A_32, %select_n3A_31 : i32
      %eq3A_34 = arith.constant 4 : i32
      %eq3A_35 = arith.cmpi eq, %select_n3A_33, %eq3A_34 : i32
      %select_n3A_36 = arith.constant 0 : i32
      %select_n3A_37 = arith.select %eq3A_35, %select_n3A_36, %select_n3A_33 : i32
      %select_n3A_38 = arith.constant 0 : i32
      %select_n3A_39 = arith.constant 1 : i32
      %select_n3A_40 = arith.select %eq3A_35, %select_n3A_39, %select_n3A_38 : i32
      %eq3A_41 = arith.constant 16 : i32
      %eq3A_42 = arith.cmpi eq, %select_n3A_40, %eq3A_41 : i32
      %select_n3A_43 = arith.constant 0 : i32
      %select_n3A_44 = arith.select %eq3A_42, %select_n3A_43, %select_n3A_40 : i32
      %add3A_45 = arith.addi %select_n3A_44, %mul3A_6 : i32
      %add3A_46 = arith.constant 0 : i32
      %add3A_47 = arith.addi %select_n3A_37, %add3A_46 : i32
      %add3A_48 = arith.constant 1 : i32
      %add3A_49 = arith.addi %select_n3A_37, %add3A_48 : i32
      %select_n3A_50 = arith.constant true
      %select_n3A_51 = arith.select %select_n3A_50, %add3A_49, %select_n3A_37 : i32
      %eq3A_52 = arith.constant 4 : i32
      %eq3A_53 = arith.cmpi eq, %select_n3A_51, %eq3A_52 : i32
      %select_n3A_54 = arith.constant 0 : i32
      %select_n3A_55 = arith.select %eq3A_53, %select_n3A_54, %select_n3A_51 : i32
      %add3A_56 = arith.constant 1 : i32
      %add3A_57 = arith.addi %select_n3A_44, %add3A_56 : i32
      %select_n3A_58 = arith.select %eq3A_53, %add3A_57, %select_n3A_44 : i32
      %eq3A_59 = arith.constant 16 : i32
      %eq3A_60 = arith.cmpi eq, %select_n3A_58, %eq3A_59 : i32
      %select_n3A_61 = arith.constant 0 : i32
      %select_n3A_62 = arith.select %eq3A_60, %select_n3A_61, %select_n3A_58 : i32
      %add3A_63 = arith.addi %select_n3A_62, %mul3A_6 : i32
      %add3A_64 = arith.constant 0 : i32
      %add3A_65 = arith.addi %select_n3A_55, %add3A_64 : i32
      "tpu.trace_start"() <{level = 10 : i32, message = "ep_initialize_0"}> : () -> ()
      %rem3A = arith.constant 0 : i32
      %rem3A_66 = arith.constant 2 : i32
      %rem3A_67 = arith.remui %rem3A, %rem3A_66 : i32
      %add3A_68 = arith.constant 0 : i32
      %add3A_69 = arith.addi %add3A_68, %add3A_13 : i32
      %mul3A_70 = arith.constant 16384 : i32
      %mul3A_71 = arith.muli %mul3A_70, %add3A_69 : i32
      %mul3A_72 = arith.constant 16384 : i32
      %mul3A_73 = arith.muli %rem3A_67, %mul3A_72 : i32
      %add3A_74 = arith.constant 0 : i32
      %add3A_75 = arith.addi %mul3A_73, %add3A_74 : i32
      %dma_start3A = tpu.memref_slice %run_scoped3A[%add3A_75] : memref<32768xf32, #tpu.memory_space<vmem>> -> memref<16384xf32, #tpu.memory_space<vmem>>
      %dma_start3A_76 = tpu.memref_slice %arg2[%mul3A_71] : memref<33554432xf32, #tpu.memory_space<hbm>> -> memref<16384xf32, #tpu.memory_space<hbm>>
      %dma_start3A_77 = tpu.memref_slice %run_scoped3A_7[%rem3A_67] : memref<2x!tpu.dma_semaphore, #tpu.memory_space<semaphore_mem>> -> memref<1x!tpu.dma_semaphore, #tpu.memory_space<semaphore_mem>>
      %dma_start3A_78 = tpu.memref_squeeze %dma_start3A_77 : memref<1x!tpu.dma_semaphore, #tpu.memory_space<semaphore_mem>> -> memref<!tpu.dma_semaphore, #tpu.memory_space<semaphore_mem>>
      %dma_start3A_79 = tpu.memref_slice %run_scoped3A[%add3A_75] : memref<32768xf32, #tpu.memory_space<vmem>> -> memref<16384xf32, #tpu.memory_space<vmem>>
      %dma_start3A_80 = tpu.memref_slice %arg2[%mul3A_71] : memref<33554432xf32, #tpu.memory_space<hbm>> -> memref<16384xf32, #tpu.memory_space<hbm>>
      tpu.enqueue_dma source(%dma_start3A_80 : memref<16384xf32, #tpu.memory_space<hbm>>) target(%dma_start3A_79 : memref<16384xf32, #tpu.memory_space<vmem>>) target_semaphore(%dma_start3A_78 : memref<!tpu.dma_semaphore, #tpu.memory_space<semaphore_mem>>)
      %add3A_81 = arith.constant 0 : i32
      %add3A_82 = arith.constant 1 : i32
      %add3A_83 = arith.addi %add3A_81, %add3A_82 : i32
      %select_n3A_84 = arith.constant true
      %select_n3A_85 = arith.constant 0 : i32
      %select_n3A_86 = arith.select %select_n3A_84, %add3A_83, %select_n3A_85 : i32
      %rem3A_87 = arith.constant 0 : i32
      %rem3A_88 = arith.constant 2 : i32
      %rem3A_89 = arith.remui %rem3A_87, %rem3A_88 : i32
      %mul3A_90 = arith.constant 16384 : i32
      %mul3A_91 = arith.muli %mul3A_90, %add3A_13 : i32
      %mul3A_92 = arith.constant 16384 : i32
      %mul3A_93 = arith.muli %rem3A_89, %mul3A_92 : i32
      %add3A_94 = arith.constant 0 : i32
      %add3A_95 = arith.addi %mul3A_93, %add3A_94 : i32
      %dma_start3A_96 = tpu.memref_slice %run_scoped3A_8[%add3A_95] : memref<32768xf32, #tpu.memory_space<vmem>> -> memref<16384xf32, #tpu.memory_space<vmem>>
      %dma_start3A_97 = tpu.memref_slice %arg3[%mul3A_91] : memref<8388608xf32, #tpu.memory_space<hbm>> -> memref<16384xf32, #tpu.memory_space<hbm>>
      %dma_start3A_98 = tpu.memref_slice %run_scoped3A_9[%rem3A_89] : memref<2x!tpu.dma_semaphore, #tpu.memory_space<semaphore_mem>> -> memref<1x!tpu.dma_semaphore, #tpu.memory_space<semaphore_mem>>
      %dma_start3A_99 = tpu.memref_squeeze %dma_start3A_98 : memref<1x!tpu.dma_semaphore, #tpu.memory_space<semaphore_mem>> -> memref<!tpu.dma_semaphore, #tpu.memory_space<semaphore_mem>>
      %dma_start3A_100 = tpu.memref_slice %run_scoped3A_8[%add3A_95] : memref<32768xf32, #tpu.memory_space<vmem>> -> memref<16384xf32, #tpu.memory_space<vmem>>
      %dma_start3A_101 = tpu.memref_slice %arg3[%mul3A_91] : memref<8388608xf32, #tpu.memory_space<hbm>> -> memref<16384xf32, #tpu.memory_space<hbm>>
      tpu.enqueue_dma source(%dma_start3A_101 : memref<16384xf32, #tpu.memory_space<hbm>>) target(%dma_start3A_100 : memref<16384xf32, #tpu.memory_space<vmem>>) target_semaphore(%dma_start3A_99 : memref<!tpu.dma_semaphore, #tpu.memory_space<semaphore_mem>>)
      %add3A_102 = arith.constant 0 : i32
      %add3A_103 = arith.constant 1 : i32
      %add3A_104 = arith.addi %add3A_102, %add3A_103 : i32
      %select_n3A_105 = arith.constant true
      %select_n3A_106 = arith.constant 0 : i32
      %select_n3A_107 = arith.select %select_n3A_105, %add3A_104, %select_n3A_106 : i32
      "tpu.trace_stop"() : () -> ()
      %scan3A = arith.constant 0 : i32
      %scan3A_108 = arith.constant 0 : i32
      %scan3A_109 = arith.constant 0 : i32
      %scan3A_110 = arith.constant 0 : i32
      %scan3A_111 = arith.constant 0 : i32
      %scan3A_112 = arith.constant 0 : i32
      %scan3A_113 = arith.constant 0 : i32
      %scan3A_114 = arith.constant 64 : i32
      %scan3A_115 = arith.addi %scan3A_113, %scan3A_114 : i32
      %scan3A_116 = arith.constant 1 : i32
      %scan3A_117:8 = scf.for %scan3A_206 = %scan3A_113 to %scan3A_115 step %scan3A_116 iter_args(%scan3A_207 = %select_n3A_86, %scan3A_208 = %scan3A, %scan3A_209 = %select_n3A_107, %scan3A_210 = %scan3A_108, %scan3A_211 = %scan3A_109, %scan3A_212 = %scan3A_110, %scan3A_213 = %scan3A_111, %scan3A_214 = %scan3A_112) -> (i32, i32, i32, i32, i32, i32, i32, i32)  : i32 {
        %eq3A_215 = arith.constant 0 : i32
        %eq3A_216 = arith.cmpi eq, %scan3A_206, %eq3A_215 : i32
        %eq3A_217 = arith.constant 63 : i32
        %eq3A_218 = arith.cmpi eq, %scan3A_206, %eq3A_217 : i32
        %add3A_219 = arith.addi %scan3A_213, %mul3A_6 : i32
        %add3A_220 = arith.constant 0 : i32
        %add3A_221 = arith.addi %scan3A_214, %add3A_220 : i32
        %sub3A_222 = arith.constant 1 : i32
        %sub3A_223 = arith.subi %scan3A_214, %sub3A_222 : i32
        %select_n3A_224 = arith.constant true
        %select_n3A_225 = arith.select %select_n3A_224, %sub3A_223, %scan3A_214 : i32
        %eq3A_226 = arith.constant -1 : i32
        %eq3A_227 = arith.cmpi eq, %select_n3A_225, %eq3A_226 : i32
        %select_n3A_228 = arith.constant 3 : i32
        %select_n3A_229 = arith.select %eq3A_227, %select_n3A_228, %select_n3A_225 : i32
        %sub3A_230 = arith.constant 1 : i32
        %sub3A_231 = arith.subi %scan3A_213, %sub3A_230 : i32
        %select_n3A_232 = arith.select %eq3A_227, %sub3A_231, %scan3A_213 : i32
        %eq3A_233 = arith.constant -1 : i32
        %eq3A_234 = arith.cmpi eq, %select_n3A_232, %eq3A_233 : i32
        %select_n3A_235 = arith.constant 15 : i32
        %select_n3A_236 = arith.select %eq3A_234, %select_n3A_235, %select_n3A_232 : i32
        %add3A_237 = arith.addi %select_n3A_236, %mul3A_6 : i32
        %add3A_238 = arith.constant 0 : i32
        %add3A_239 = arith.addi %select_n3A_229, %add3A_238 : i32
        %add3A_240 = arith.constant 1 : i32
        %add3A_241 = arith.addi %scan3A_214, %add3A_240 : i32
        %select_n3A_242 = arith.constant true
        %select_n3A_243 = arith.select %select_n3A_242, %add3A_241, %scan3A_214 : i32
        %eq3A_244 = arith.constant 4 : i32
        %eq3A_245 = arith.cmpi eq, %select_n3A_243, %eq3A_244 : i32
        %select_n3A_246 = arith.constant 0 : i32
        %select_n3A_247 = arith.select %eq3A_245, %select_n3A_246, %select_n3A_243 : i32
        %add3A_248 = arith.constant 1 : i32
        %add3A_249 = arith.addi %scan3A_213, %add3A_248 : i32
        %select_n3A_250 = arith.select %eq3A_245, %add3A_249, %scan3A_213 : i32
        %eq3A_251 = arith.constant 16 : i32
        %eq3A_252 = arith.cmpi eq, %select_n3A_250, %eq3A_251 : i32
        %select_n3A_253 = arith.constant 0 : i32
        %select_n3A_254 = arith.select %eq3A_252, %select_n3A_253, %select_n3A_250 : i32
        %add3A_255 = arith.addi %select_n3A_254, %mul3A_6 : i32
        %add3A_256 = arith.constant 0 : i32
        %add3A_257 = arith.addi %select_n3A_247, %add3A_256 : i32
        %add3A_258 = arith.constant 1 : i32
        %add3A_259 = arith.addi %select_n3A_247, %add3A_258 : i32
        %select_n3A_260 = arith.constant true
        %select_n3A_261 = arith.select %select_n3A_260, %add3A_259, %select_n3A_247 : i32
        %eq3A_262 = arith.constant 4 : i32
        %eq3A_263 = arith.cmpi eq, %select_n3A_261, %eq3A_262 : i32
        %select_n3A_264 = arith.constant 0 : i32
        %select_n3A_265 = arith.select %eq3A_263, %select_n3A_264, %select_n3A_261 : i32
        %add3A_266 = arith.constant 1 : i32
        %add3A_267 = arith.addi %select_n3A_254, %add3A_266 : i32
        %select_n3A_268 = arith.select %eq3A_263, %add3A_267, %select_n3A_254 : i32
        %eq3A_269 = arith.constant 16 : i32
        %eq3A_270 = arith.cmpi eq, %select_n3A_268, %eq3A_269 : i32
        %select_n3A_271 = arith.constant 0 : i32
        %select_n3A_272 = arith.select %eq3A_270, %select_n3A_271, %select_n3A_268 : i32
        %add3A_273 = arith.addi %select_n3A_272, %mul3A_6 : i32
        %add3A_274 = arith.constant 0 : i32
        %add3A_275 = arith.addi %select_n3A_265, %add3A_274 : i32
        %mul3A_276 = arith.constant 512 : i32
        %mul3A_277 = arith.muli %add3A_221, %mul3A_276 : i32
        %add3A_278 = arith.addi %mul3A_277, %add3A_219 : i32
        %mul3A_279 = arith.constant 512 : i32
        %mul3A_280 = arith.muli %add3A_257, %mul3A_279 : i32
        %add3A_281 = arith.addi %mul3A_280, %add3A_255 : i32
        %ne3A = arith.cmpi ne, %add3A_278, %add3A_281 : i32
        %or3A = arith.constant false
        %or3A_282 = arith.ori %or3A, %ne3A : i1
        %ge3A = arith.constant 63 : i32
        %ge3A_283 = arith.cmpi sge, %scan3A_206, %ge3A : i32
        %not3A = arith.constant true
        %not3A_284 = arith.xori %ge3A_283, %not3A : i1
        %and3A = arith.andi %or3A_282, %not3A_284 : i1
        %convert_element_type3A = arith.extui %and3A : i1 to i32
        %cond3A = arith.constant 0 : i32
        %cond3A_285 = arith.cmpi ne, %convert_element_type3A, %cond3A : i32
        scf.if %cond3A_285 {
          "tpu.trace_start"() <{level = 10 : i32, message = "ep_copy_in"}> : () -> ()
          %rem3A_496 = arith.constant 2 : i32
          %rem3A_497 = arith.remui %scan3A_207, %rem3A_496 : i32
          %mul3A_498 = arith.constant 512 : i32
          %mul3A_499 = arith.muli %add3A_257, %mul3A_498 : i32
          %add3A_500 = arith.addi %mul3A_499, %add3A_255 : i32
          %mul3A_501 = arith.constant 16384 : i32
          %mul3A_502 = arith.muli %mul3A_501, %add3A_500 : i32
          %mul3A_503 = arith.constant 16384 : i32
          %mul3A_504 = arith.muli %rem3A_497, %mul3A_503 : i32
          %add3A_505 = arith.constant 0 : i32
          %add3A_506 = arith.addi %mul3A_504, %add3A_505 : i32
          %dma_start3A_507 = tpu.memref_slice %run_scoped3A[%add3A_506] : memref<32768xf32, #tpu.memory_space<vmem>> -> memref<16384xf32, #tpu.memory_space<vmem>>
          %dma_start3A_508 = tpu.memref_slice %arg2[%mul3A_502] : memref<33554432xf32, #tpu.memory_space<hbm>> -> memref<16384xf32, #tpu.memory_space<hbm>>
          %dma_start3A_509 = tpu.memref_slice %run_scoped3A_7[%rem3A_497] : memref<2x!tpu.dma_semaphore, #tpu.memory_space<semaphore_mem>> -> memref<1x!tpu.dma_semaphore, #tpu.memory_space<semaphore_mem>>
          %dma_start3A_510 = tpu.memref_squeeze %dma_start3A_509 : memref<1x!tpu.dma_semaphore, #tpu.memory_space<semaphore_mem>> -> memref<!tpu.dma_semaphore, #tpu.memory_space<semaphore_mem>>
          %dma_start3A_511 = tpu.memref_slice %run_scoped3A[%add3A_506] : memref<32768xf32, #tpu.memory_space<vmem>> -> memref<16384xf32, #tpu.memory_space<vmem>>
          %dma_start3A_512 = tpu.memref_slice %arg2[%mul3A_502] : memref<33554432xf32, #tpu.memory_space<hbm>> -> memref<16384xf32, #tpu.memory_space<hbm>>
          tpu.enqueue_dma source(%dma_start3A_512 : memref<16384xf32, #tpu.memory_space<hbm>>) target(%dma_start3A_511 : memref<16384xf32, #tpu.memory_space<vmem>>) target_semaphore(%dma_start3A_510 : memref<!tpu.dma_semaphore, #tpu.memory_space<semaphore_mem>>)
          "tpu.trace_stop"() : () -> ()
        } else {
        }
        %and3A_286 = arith.constant true
        %and3A_287 = arith.andi %and3A, %and3A_286 : i1
        %add3A_288 = arith.constant 1 : i32
        %add3A_289 = arith.addi %scan3A_207, %add3A_288 : i32
        %select_n3A_290 = arith.select %and3A_287, %add3A_289, %scan3A_207 : i32
        %ne3A_291 = arith.cmpi ne, %add3A_219, %add3A_255 : i32
        %or3A_292 = arith.constant false
        %or3A_293 = arith.ori %or3A_292, %ne3A_291 : i1
        %ge3A_294 = arith.constant 63 : i32
        %ge3A_295 = arith.cmpi sge, %scan3A_206, %ge3A_294 : i32
        %not3A_296 = arith.constant true
        %not3A_297 = arith.xori %ge3A_295, %not3A_296 : i1
        %and3A_298 = arith.andi %or3A_293, %not3A_297 : i1
        %convert_element_type3A_299 = arith.extui %and3A_298 : i1 to i32
        %cond3A_300 = arith.constant 0 : i32
        %cond3A_301 = arith.cmpi ne, %convert_element_type3A_299, %cond3A_300 : i32
        scf.if %cond3A_301 {
          "tpu.trace_start"() <{level = 10 : i32, message = "ep_copy_in"}> : () -> ()
          %rem3A_496 = arith.constant 2 : i32
          %rem3A_497 = arith.remui %scan3A_209, %rem3A_496 : i32
          %mul3A_498 = arith.constant 16384 : i32
          %mul3A_499 = arith.muli %mul3A_498, %add3A_255 : i32
          %mul3A_500 = arith.constant 16384 : i32
          %mul3A_501 = arith.muli %rem3A_497, %mul3A_500 : i32
          %add3A_502 = arith.constant 0 : i32
          %add3A_503 = arith.addi %mul3A_501, %add3A_502 : i32
          %dma_start3A_504 = tpu.memref_slice %run_scoped3A_8[%add3A_503] : memref<32768xf32, #tpu.memory_space<vmem>> -> memref<16384xf32, #tpu.memory_space<vmem>>
          %dma_start3A_505 = tpu.memref_slice %arg3[%mul3A_499] : memref<8388608xf32, #tpu.memory_space<hbm>> -> memref<16384xf32, #tpu.memory_space<hbm>>
          %dma_start3A_506 = tpu.memref_slice %run_scoped3A_9[%rem3A_497] : memref<2x!tpu.dma_semaphore, #tpu.memory_space<semaphore_mem>> -> memref<1x!tpu.dma_semaphore, #tpu.memory_space<semaphore_mem>>
          %dma_start3A_507 = tpu.memref_squeeze %dma_start3A_506 : memref<1x!tpu.dma_semaphore, #tpu.memory_space<semaphore_mem>> -> memref<!tpu.dma_semaphore, #tpu.memory_space<semaphore_mem>>
          %dma_start3A_508 = tpu.memref_slice %run_scoped3A_8[%add3A_503] : memref<32768xf32, #tpu.memory_space<vmem>> -> memref<16384xf32, #tpu.memory_space<vmem>>
          %dma_start3A_509 = tpu.memref_slice %arg3[%mul3A_499] : memref<8388608xf32, #tpu.memory_space<hbm>> -> memref<16384xf32, #tpu.memory_space<hbm>>
          tpu.enqueue_dma source(%dma_start3A_509 : memref<16384xf32, #tpu.memory_space<hbm>>) target(%dma_start3A_508 : memref<16384xf32, #tpu.memory_space<vmem>>) target_semaphore(%dma_start3A_507 : memref<!tpu.dma_semaphore, #tpu.memory_space<semaphore_mem>>)
          "tpu.trace_stop"() : () -> ()
        } else {
        }
        %and3A_302 = arith.constant true
        %and3A_303 = arith.andi %and3A_298, %and3A_302 : i1
        %add3A_304 = arith.constant 1 : i32
        %add3A_305 = arith.addi %scan3A_209, %add3A_304 : i32
        %select_n3A_306 = arith.select %and3A_303, %add3A_305, %scan3A_209 : i32
        %mul3A_307 = arith.constant 512 : i32
        %mul3A_308 = arith.muli %add3A_221, %mul3A_307 : i32
        %add3A_309 = arith.addi %mul3A_308, %add3A_219 : i32
        %mul3A_310 = arith.constant 512 : i32
        %mul3A_311 = arith.muli %add3A_257, %mul3A_310 : i32
        %add3A_312 = arith.addi %mul3A_311, %add3A_255 : i32
        %ne3A_313 = arith.cmpi ne, %add3A_309, %add3A_312 : i32
        %or3A_314 = arith.constant false
        %or3A_315 = arith.ori %or3A_314, %ne3A_313 : i1
        %ge3A_316 = arith.constant 63 : i32
        %ge3A_317 = arith.cmpi sge, %scan3A_206, %ge3A_316 : i32
        %not3A_318 = arith.constant true
        %not3A_319 = arith.xori %ge3A_317, %not3A_318 : i1
        %and3A_320 = arith.andi %or3A_315, %not3A_319 : i1
        %mul3A_321 = arith.constant 512 : i32
        %mul3A_322 = arith.muli %add3A_221, %mul3A_321 : i32
        %add3A_323 = arith.addi %mul3A_322, %add3A_219 : i32
        %mul3A_324 = arith.constant 512 : i32
        %mul3A_325 = arith.muli %add3A_239, %mul3A_324 : i32
        %add3A_326 = arith.addi %mul3A_325, %add3A_237 : i32
        %ne3A_327 = arith.cmpi ne, %add3A_323, %add3A_326 : i32
        %or3A_328 = arith.constant false
        %or3A_329 = arith.ori %or3A_328, %ne3A_327 : i1
        %or3A_330 = arith.ori %or3A_329, %eq3A_216 : i1
        %convert_element_type3A_331 = arith.extui %or3A_330 : i1 to i32
        %cond3A_332 = arith.constant 0 : i32
        %cond3A_333 = arith.cmpi ne, %convert_element_type3A_331, %cond3A_332 : i32
        scf.if %cond3A_333 {
          "tpu.trace_start"() <{level = 10 : i32, message = "ep_wait_in"}> : () -> ()
          %mul3A_496 = arith.constant 512 : i32
          %mul3A_497 = arith.muli %add3A_221, %mul3A_496 : i32
          %add3A_498 = arith.addi %mul3A_497, %add3A_219 : i32
          %mul3A_499 = arith.constant 16384 : i32
          %mul3A_500 = arith.muli %mul3A_499, %add3A_498 : i32
          %rem3A_501 = arith.constant 2 : i32
          %rem3A_502 = arith.remui %scan3A_208, %rem3A_501 : i32
          %mul3A_503 = arith.constant 16384 : i32
          %mul3A_504 = arith.muli %rem3A_502, %mul3A_503 : i32
          %add3A_505 = arith.constant 0 : i32
          %add3A_506 = arith.addi %mul3A_504, %add3A_505 : i32
          %dma_wait3A_507 = tpu.memref_slice %run_scoped3A[%add3A_506] : memref<32768xf32, #tpu.memory_space<vmem>> -> memref<16384xf32, #tpu.memory_space<vmem>>
          %dma_wait3A_508 = tpu.memref_slice %arg2[%mul3A_500] : memref<33554432xf32, #tpu.memory_space<hbm>> -> memref<16384xf32, #tpu.memory_space<hbm>>
          %dma_wait3A_509 = tpu.memref_slice %run_scoped3A_7[%rem3A_502] : memref<2x!tpu.dma_semaphore, #tpu.memory_space<semaphore_mem>> -> memref<1x!tpu.dma_semaphore, #tpu.memory_space<semaphore_mem>>
          %dma_wait3A_510 = tpu.memref_squeeze %dma_wait3A_509 : memref<1x!tpu.dma_semaphore, #tpu.memory_space<semaphore_mem>> -> memref<!tpu.dma_semaphore, #tpu.memory_space<semaphore_mem>>
          %dma_wait3A_511 = tpu.memref_slice %run_scoped3A[%add3A_506] : memref<32768xf32, #tpu.memory_space<vmem>> -> memref<16384xf32, #tpu.memory_space<vmem>>
          %dma_wait3A_512 = tpu.memref_slice %arg2[%mul3A_500] : memref<33554432xf32, #tpu.memory_space<hbm>> -> memref<16384xf32, #tpu.memory_space<hbm>>
          tpu.wait_dma2 semaphore(%dma_wait3A_510 : memref<!tpu.dma_semaphore, #tpu.memory_space<semaphore_mem>>) src(%dma_wait3A_512 : memref<16384xf32, #tpu.memory_space<hbm>>) dst(%dma_wait3A_511 : memref<16384xf32, #tpu.memory_space<vmem>>)
          "tpu.trace_stop"() : () -> ()
        } else {
        }
        %ne3A_334 = arith.cmpi ne, %add3A_219, %add3A_237 : i32
        %or3A_335 = arith.constant false
        %or3A_336 = arith.ori %or3A_335, %ne3A_334 : i1
        %or3A_337 = arith.ori %or3A_336, %eq3A_216 : i1
        %convert_element_type3A_338 = arith.extui %or3A_337 : i1 to i32
        %cond3A_339 = arith.constant 0 : i32
        %cond3A_340 = arith.cmpi ne, %convert_element_type3A_338, %cond3A_339 : i32
        scf.if %cond3A_340 {
          "tpu.trace_start"() <{level = 10 : i32, message = "ep_wait_in"}> : () -> ()
          %mul3A_496 = arith.constant 16384 : i32
          %mul3A_497 = arith.muli %mul3A_496, %add3A_219 : i32
          %rem3A_498 = arith.constant 2 : i32
          %rem3A_499 = arith.remui %scan3A_210, %rem3A_498 : i32
          %mul3A_500 = arith.constant 16384 : i32
          %mul3A_501 = arith.muli %rem3A_499, %mul3A_500 : i32
          %add3A_502 = arith.constant 0 : i32
          %add3A_503 = arith.addi %mul3A_501, %add3A_502 : i32
          %dma_wait3A_504 = tpu.memref_slice %run_scoped3A_8[%add3A_503] : memref<32768xf32, #tpu.memory_space<vmem>> -> memref<16384xf32, #tpu.memory_space<vmem>>
          %dma_wait3A_505 = tpu.memref_slice %arg3[%mul3A_497] : memref<8388608xf32, #tpu.memory_space<hbm>> -> memref<16384xf32, #tpu.memory_space<hbm>>
          %dma_wait3A_506 = tpu.memref_slice %run_scoped3A_9[%rem3A_499] : memref<2x!tpu.dma_semaphore, #tpu.memory_space<semaphore_mem>> -> memref<1x!tpu.dma_semaphore, #tpu.memory_space<semaphore_mem>>
          %dma_wait3A_507 = tpu.memref_squeeze %dma_wait3A_506 : memref<1x!tpu.dma_semaphore, #tpu.memory_space<semaphore_mem>> -> memref<!tpu.dma_semaphore, #tpu.memory_space<semaphore_mem>>
          %dma_wait3A_508 = tpu.memref_slice %run_scoped3A_8[%add3A_503] : memref<32768xf32, #tpu.memory_space<vmem>> -> memref<16384xf32, #tpu.memory_space<vmem>>
          %dma_wait3A_509 = tpu.memref_slice %arg3[%mul3A_497] : memref<8388608xf32, #tpu.memory_space<hbm>> -> memref<16384xf32, #tpu.memory_space<hbm>>
          tpu.wait_dma2 semaphore(%dma_wait3A_507 : memref<!tpu.dma_semaphore, #tpu.memory_space<semaphore_mem>>) src(%dma_wait3A_509 : memref<16384xf32, #tpu.memory_space<hbm>>) dst(%dma_wait3A_508 : memref<16384xf32, #tpu.memory_space<vmem>>)
          "tpu.trace_stop"() : () -> ()
        } else {
        }
        %mul3A_341 = arith.constant 512 : i32
        %mul3A_342 = arith.muli %add3A_221, %mul3A_341 : i32
        %add3A_343 = arith.addi %mul3A_342, %add3A_219 : i32
        %mul3A_344 = arith.constant 512 : i32
        %mul3A_345 = arith.muli %add3A_239, %mul3A_344 : i32
        %add3A_346 = arith.addi %mul3A_345, %add3A_237 : i32
        %ne3A_347 = arith.cmpi ne, %add3A_343, %add3A_346 : i32
        %or3A_348 = arith.constant false
        %or3A_349 = arith.ori %or3A_348, %ne3A_347 : i1
        %or3A_350 = arith.ori %or3A_349, %eq3A_216 : i1
        %convert_element_type3A_351 = arith.extui %or3A_350 : i1 to i32
        %cond3A_352 = arith.constant 0 : i32
        %cond3A_353 = arith.cmpi ne, %convert_element_type3A_351, %cond3A_352 : i32
        scf.if %cond3A_353 {
        } else {
        }
        %rem3A_354 = arith.constant 2 : i32
        %rem3A_355 = arith.remui %scan3A_208, %rem3A_354 : i32
        %mul3A_356 = arith.constant 16384 : i32
        %mul3A_357 = arith.muli %rem3A_355, %mul3A_356 : i32
        %rem3A_358 = arith.constant 2 : i32
        %rem3A_359 = arith.remui %scan3A_210, %rem3A_358 : i32
        %mul3A_360 = arith.constant 16384 : i32
        %mul3A_361 = arith.muli %rem3A_359, %mul3A_360 : i32
        %rem3A_362 = arith.constant 2 : i32
        %rem3A_363 = arith.remui %scan3A_211, %rem3A_362 : i32
        %mul3A_364 = arith.constant 16384 : i32
        %mul3A_365 = arith.muli %rem3A_363, %mul3A_364 : i32
        "tpu.trace_start"() <{level = 10 : i32, message = "ep_run_kernel"}> : () -> ()
        %scan3A_366 = arith.constant 0 : i32
        %scan3A_367 = arith.constant 1024 : i32
        %scan3A_368 = arith.addi %scan3A_366, %scan3A_367 : i32
        %scan3A_369 = arith.constant 1 : i32
        scf.for %scan3A_496 = %scan3A_366 to %scan3A_368 step %scan3A_369  : i32 {
          %mul3A_497 = arith.constant 16 : i32
          %mul3A_498 = arith.muli %scan3A_496, %mul3A_497 : i32
          %add3A_499 = arith.constant 0 : i32
          %add3A_500 = arith.addi %add3A_499, %mul3A_498 : i32
          %get3A = tpu.memref_slice %run_scoped3A[%mul3A_357] : memref<32768xf32, #tpu.memory_space<vmem>> -> memref<16384xf32, #tpu.memory_space<vmem>>
          %get3A_501 = arith.index_cast %add3A_500 : i32 to index
          %get3A_502 = tpu.vector_load %get3A[%get3A_501] {strides = array<i32>} : memref<16384xf32, #tpu.memory_space<vmem>>, vector<16xf32>,
          %get3A_503 = vector.shape_cast %get3A_502 : vector<16xf32> to vector<16xf32>
          %get3A_504 = tpu.memref_slice %run_scoped3A_8[%mul3A_361] : memref<32768xf32, #tpu.memory_space<vmem>> -> memref<16384xf32, #tpu.memory_space<vmem>>
          %get3A_505 = arith.index_cast %add3A_500 : i32 to index
          %get3A_506 = tpu.vector_load %get3A_504[%get3A_505] {strides = array<i32>} : memref<16384xf32, #tpu.memory_space<vmem>>, vector<16xf32>,
          %get3A_507 = vector.shape_cast %get3A_506 : vector<16xf32> to vector<16xf32>
          %add3A_508 = arith.addf %get3A_503, %get3A_507 : vector<16xf32>
          %swap3A = tpu.memref_slice %run_scoped3A_10[%mul3A_365] : memref<32768xf32, #tpu.memory_space<vmem>> -> memref<16384xf32, #tpu.memory_space<vmem>>
          %swap3A_509 = arith.index_cast %add3A_500 : i32 to index
          %swap3A_510 = tpu.vector_load %swap3A[%swap3A_509] {strides = array<i32>} : memref<16384xf32, #tpu.memory_space<vmem>>, vector<16xf32>,
          %swap3A_511 = vector.shape_cast %swap3A_510 : vector<16xf32> to vector<16xf32>
          %swap3A_512 = vector.shape_cast %add3A_508 : vector<16xf32> to vector<16xf32>
          tpu.vector_store %swap3A[%swap3A_509], %swap3A_512 {strides = array<i32>} : memref<16384xf32, #tpu.memory_space<vmem>>, vector<16xf32>,
        }
        %scan3A_370 = arith.constant 1024 : i32
        "tpu.trace_stop"() : () -> ()
        %mul3A_371 = arith.constant 512 : i32
        %mul3A_372 = arith.muli %add3A_221, %mul3A_371 : i32
        %add3A_373 = arith.addi %mul3A_372, %add3A_219 : i32
        %mul3A_374 = arith.constant 512 : i32
        %mul3A_375 = arith.muli %add3A_257, %mul3A_374 : i32
        %add3A_376 = arith.addi %mul3A_375, %add3A_255 : i32
        %ne3A_377 = arith.cmpi ne, %add3A_373, %add3A_376 : i32
        %or3A_378 = arith.constant false
        %or3A_379 = arith.ori %or3A_378, %ne3A_377 : i1
        %or3A_380 = arith.ori %or3A_379, %eq3A_218 : i1
        %convert_element_type3A_381 = arith.extui %or3A_380 : i1 to i32
        %cond3A_382 = arith.constant 0 : i32
        %cond3A_383 = arith.cmpi ne, %convert_element_type3A_381, %cond3A_382 : i32
        scf.if %cond3A_383 {
        } else {
        }
        %and3A_384 = arith.constant false
        %and3A_385 = arith.andi %or3A_380, %and3A_384 : i1
        %ne3A_386 = arith.cmpi ne, %add3A_219, %add3A_255 : i32
        %or3A_387 = arith.constant false
        %or3A_388 = arith.ori %or3A_387, %ne3A_386 : i1
        %or3A_389 = arith.ori %or3A_388, %eq3A_218 : i1
        %convert_element_type3A_390 = arith.extui %or3A_389 : i1 to i32
        %cond3A_391 = arith.constant 0 : i32
        %cond3A_392 = arith.cmpi ne, %convert_element_type3A_390, %cond3A_391 : i32
        scf.if %cond3A_392 {
        } else {
        }
        %and3A_393 = arith.constant false
        %and3A_394 = arith.andi %or3A_389, %and3A_393 : i1
        %mul3A_395 = arith.constant 512 : i32
        %mul3A_396 = arith.muli %add3A_221, %mul3A_395 : i32
        %add3A_397 = arith.addi %mul3A_396, %add3A_219 : i32
        %mul3A_398 = arith.constant 512 : i32
        %mul3A_399 = arith.muli %add3A_257, %mul3A_398 : i32
        %add3A_400 = arith.addi %mul3A_399, %add3A_255 : i32
        %ne3A_401 = arith.cmpi ne, %add3A_397, %add3A_400 : i32
        %or3A_402 = arith.constant false
        %or3A_403 = arith.ori %or3A_402, %ne3A_401 : i1
        %or3A_404 = arith.ori %or3A_403, %eq3A_218 : i1
        %convert_element_type3A_405 = arith.extui %or3A_404 : i1 to i32
        %cond3A_406 = arith.constant 0 : i32
        %cond3A_407 = arith.cmpi ne, %convert_element_type3A_405, %cond3A_406 : i32
        scf.if %cond3A_407 {
          "tpu.trace_start"() <{level = 10 : i32, message = "ep_copy_out"}> : () -> ()
          %rem3A_496 = arith.constant 2 : i32
          %rem3A_497 = arith.remui %scan3A_211, %rem3A_496 : i32
          %mul3A_498 = arith.constant 512 : i32
          %mul3A_499 = arith.muli %add3A_221, %mul3A_498 : i32
          %add3A_500 = arith.addi %mul3A_499, %add3A_219 : i32
          %mul3A_501 = arith.constant 16384 : i32
          %mul3A_502 = arith.muli %mul3A_501, %add3A_500 : i32
          %mul3A_503 = arith.constant 16384 : i32
          %mul3A_504 = arith.muli %rem3A_497, %mul3A_503 : i32
          %add3A_505 = arith.constant 0 : i32
          %add3A_506 = arith.addi %mul3A_504, %add3A_505 : i32
          %dma_start3A_507 = tpu.memref_slice %run_scoped3A_10[%add3A_506] : memref<32768xf32, #tpu.memory_space<vmem>> -> memref<16384xf32, #tpu.memory_space<vmem>>
          %dma_start3A_508 = tpu.memref_slice %arg4[%mul3A_502] : memref<33554432xf32, #tpu.memory_space<hbm>> -> memref<16384xf32, #tpu.memory_space<hbm>>
          %dma_start3A_509 = tpu.memref_slice %run_scoped3A_11[%rem3A_497] : memref<2x!tpu.dma_semaphore, #tpu.memory_space<semaphore_mem>> -> memref<1x!tpu.dma_semaphore, #tpu.memory_space<semaphore_mem>>
          %dma_start3A_510 = tpu.memref_squeeze %dma_start3A_509 : memref<1x!tpu.dma_semaphore, #tpu.memory_space<semaphore_mem>> -> memref<!tpu.dma_semaphore, #tpu.memory_space<semaphore_mem>>
          %dma_start3A_511 = tpu.memref_slice %arg4[%mul3A_502] : memref<33554432xf32, #tpu.memory_space<hbm>> -> memref<16384xf32, #tpu.memory_space<hbm>>
          %dma_start3A_512 = tpu.memref_slice %run_scoped3A_10[%add3A_506] : memref<32768xf32, #tpu.memory_space<vmem>> -> memref<16384xf32, #tpu.memory_space<vmem>>
          tpu.enqueue_dma source(%dma_start3A_512 : memref<16384xf32, #tpu.memory_space<vmem>>) target(%dma_start3A_511 : memref<16384xf32, #tpu.memory_space<hbm>>) target_semaphore(%dma_start3A_510 : memref<!tpu.dma_semaphore, #tpu.memory_space<semaphore_mem>>)
          "tpu.trace_stop"() : () -> ()
        } else {
        }
        %and3A_408 = arith.constant true
        %and3A_409 = arith.andi %or3A_404, %and3A_408 : i1
        %add3A_410 = arith.constant 1 : i32
        %add3A_411 = arith.addi %scan3A_211, %add3A_410 : i32
        %select_n3A_412 = arith.select %and3A_409, %add3A_411, %scan3A_211 : i32
        %mul3A_413 = arith.constant 512 : i32
        %mul3A_414 = arith.muli %add3A_221, %mul3A_413 : i32
        %add3A_415 = arith.addi %mul3A_414, %add3A_219 : i32
        %mul3A_416 = arith.constant 512 : i32
        %mul3A_417 = arith.muli %add3A_239, %mul3A_416 : i32
        %add3A_418 = arith.addi %mul3A_417, %add3A_237 : i32
        %ne3A_419 = arith.cmpi ne, %add3A_415, %add3A_418 : i32
        %or3A_420 = arith.constant false
        %or3A_421 = arith.ori %or3A_420, %ne3A_419 : i1
        %not3A_422 = arith.constant true
        %not3A_423 = arith.xori %eq3A_216, %not3A_422 : i1
        %and3A_424 = arith.andi %or3A_421, %not3A_423 : i1
        %convert_element_type3A_425 = arith.extui %and3A_424 : i1 to i32
        %cond3A_426 = arith.constant 0 : i32
        %cond3A_427 = arith.cmpi ne, %convert_element_type3A_425, %cond3A_426 : i32
        scf.if %cond3A_427 {
        } else {
        }
        %and3A_428 = arith.constant false
        %and3A_429 = arith.andi %and3A_424, %and3A_428 : i1
        %ne3A_430 = arith.cmpi ne, %add3A_219, %add3A_237 : i32
        %or3A_431 = arith.constant false
        %or3A_432 = arith.ori %or3A_431, %ne3A_430 : i1
        %not3A_433 = arith.constant true
        %not3A_434 = arith.xori %eq3A_216, %not3A_433 : i1
        %and3A_435 = arith.andi %or3A_432, %not3A_434 : i1
        %convert_element_type3A_436 = arith.extui %and3A_435 : i1 to i32
        %cond3A_437 = arith.constant 0 : i32
        %cond3A_438 = arith.cmpi ne, %convert_element_type3A_436, %cond3A_437 : i32
        scf.if %cond3A_438 {
        } else {
        }
        %and3A_439 = arith.constant false
        %and3A_440 = arith.andi %and3A_435, %and3A_439 : i1
        %mul3A_441 = arith.constant 512 : i32
        %mul3A_442 = arith.muli %add3A_221, %mul3A_441 : i32
        %add3A_443 = arith.addi %mul3A_442, %add3A_219 : i32
        %mul3A_444 = arith.constant 512 : i32
        %mul3A_445 = arith.muli %add3A_239, %mul3A_444 : i32
        %add3A_446 = arith.addi %mul3A_445, %add3A_237 : i32
        %ne3A_447 = arith.cmpi ne, %add3A_443, %add3A_446 : i32
        %or3A_448 = arith.constant false
        %or3A_449 = arith.ori %or3A_448, %ne3A_447 : i1
        %not3A_450 = arith.constant true
        %not3A_451 = arith.xori %eq3A_216, %not3A_450 : i1
        %and3A_452 = arith.andi %or3A_449, %not3A_451 : i1
        %convert_element_type3A_453 = arith.extui %and3A_452 : i1 to i32
        %cond3A_454 = arith.constant 0 : i32
        %cond3A_455 = arith.cmpi ne, %convert_element_type3A_453, %cond3A_454 : i32
        scf.if %cond3A_455 {
          "tpu.trace_start"() <{level = 10 : i32, message = "ep_wait_out"}> : () -> ()
          %rem3A_496 = arith.constant 2 : i32
          %rem3A_497 = arith.remui %scan3A_212, %rem3A_496 : i32
          %mul3A_498 = arith.constant 512 : i32
          %mul3A_499 = arith.muli %add3A_239, %mul3A_498 : i32
          %add3A_500 = arith.addi %mul3A_499, %add3A_237 : i32
          %mul3A_501 = arith.constant 16384 : i32
          %mul3A_502 = arith.muli %mul3A_501, %add3A_500 : i32
          %mul3A_503 = arith.constant 16384 : i32
          %mul3A_504 = arith.muli %rem3A_497, %mul3A_503 : i32
          %add3A_505 = arith.constant 0 : i32
          %add3A_506 = arith.addi %mul3A_504, %add3A_505 : i32
          %dma_wait3A_507 = tpu.memref_slice %run_scoped3A_10[%add3A_506] : memref<32768xf32, #tpu.memory_space<vmem>> -> memref<16384xf32, #tpu.memory_space<vmem>>
          %dma_wait3A_508 = tpu.memref_slice %arg4[%mul3A_502] : memref<33554432xf32, #tpu.memory_space<hbm>> -> memref<16384xf32, #tpu.memory_space<hbm>>
          %dma_wait3A_509 = tpu.memref_slice %run_scoped3A_11[%rem3A_497] : memref<2x!tpu.dma_semaphore, #tpu.memory_space<semaphore_mem>> -> memref<1x!tpu.dma_semaphore, #tpu.memory_space<semaphore_mem>>
          %dma_wait3A_510 = tpu.memref_squeeze %dma_wait3A_509 : memref<1x!tpu.dma_semaphore, #tpu.memory_space<semaphore_mem>> -> memref<!tpu.dma_semaphore, #tpu.memory_space<semaphore_mem>>
          %dma_wait3A_511 = tpu.memref_slice %arg4[%mul3A_502] : memref<33554432xf32, #tpu.memory_space<hbm>> -> memref<16384xf32, #tpu.memory_space<hbm>>
          %dma_wait3A_512 = tpu.memref_slice %run_scoped3A_10[%add3A_506] : memref<32768xf32, #tpu.memory_space<vmem>> -> memref<16384xf32, #tpu.memory_space<vmem>>
          tpu.wait_dma2 semaphore(%dma_wait3A_510 : memref<!tpu.dma_semaphore, #tpu.memory_space<semaphore_mem>>) src(%dma_wait3A_512 : memref<16384xf32, #tpu.memory_space<vmem>>) dst(%dma_wait3A_511 : memref<16384xf32, #tpu.memory_space<hbm>>)
          "tpu.trace_stop"() : () -> ()
        } else {
        }
        %and3A_456 = arith.constant true
        %and3A_457 = arith.andi %and3A_452, %and3A_456 : i1
        %add3A_458 = arith.constant 1 : i32
        %add3A_459 = arith.addi %scan3A_212, %add3A_458 : i32
        %select_n3A_460 = arith.select %and3A_457, %add3A_459, %scan3A_212 : i32
        %mul3A_461 = arith.constant 512 : i32
        %mul3A_462 = arith.muli %add3A_221, %mul3A_461 : i32
        %add3A_463 = arith.addi %mul3A_462, %add3A_219 : i32
        %mul3A_464 = arith.constant 512 : i32
        %mul3A_465 = arith.muli %add3A_257, %mul3A_464 : i32
        %add3A_466 = arith.addi %mul3A_465, %add3A_255 : i32
        %ne3A_467 = arith.cmpi ne, %add3A_463, %add3A_466 : i32
        %or3A_468 = arith.constant false
        %or3A_469 = arith.ori %or3A_468, %ne3A_467 : i1
        %or3A_470 = arith.ori %or3A_469, %eq3A_218 : i1
        %add3A_471 = arith.constant 1 : i32
        %add3A_472 = arith.addi %scan3A_208, %add3A_471 : i32
        %select_n3A_473 = arith.select %or3A_470, %add3A_472, %scan3A_208 : i32
        %ne3A_474 = arith.cmpi ne, %add3A_219, %add3A_255 : i32
        %or3A_475 = arith.constant false
        %or3A_476 = arith.ori %or3A_475, %ne3A_474 : i1
        %or3A_477 = arith.ori %or3A_476, %eq3A_218 : i1
        %add3A_478 = arith.constant 1 : i32
        %add3A_479 = arith.addi %scan3A_210, %add3A_478 : i32
        %select_n3A_480 = arith.select %or3A_477, %add3A_479, %scan3A_210 : i32
        %add3A_481 = arith.constant 1 : i32
        %add3A_482 = arith.addi %scan3A_214, %add3A_481 : i32
        %select_n3A_483 = arith.constant true
        %select_n3A_484 = arith.select %select_n3A_483, %add3A_482, %scan3A_214 : i32
        %eq3A_485 = arith.constant 4 : i32
        %eq3A_486 = arith.cmpi eq, %select_n3A_484, %eq3A_485 : i32
        %select_n3A_487 = arith.constant 0 : i32
        %select_n3A_488 = arith.select %eq3A_486, %select_n3A_487, %select_n3A_484 : i32
        %add3A_489 = arith.constant 1 : i32
        %add3A_490 = arith.addi %scan3A_213, %add3A_489 : i32
        %select_n3A_491 = arith.select %eq3A_486, %add3A_490, %scan3A_213 : i32
        %eq3A_492 = arith.constant 16 : i32
        %eq3A_493 = arith.cmpi eq, %select_n3A_491, %eq3A_492 : i32
        %select_n3A_494 = arith.constant 0 : i32
        %select_n3A_495 = arith.select %eq3A_493, %select_n3A_494, %select_n3A_491 : i32
        scf.yield %select_n3A_290, %select_n3A_473, %select_n3A_306, %select_n3A_480, %select_n3A_412, %select_n3A_460, %select_n3A_495, %select_n3A_488 : i32, i32, i32, i32, i32, i32, i32, i32
      }
      %scan3A_118 = arith.constant 64 : i32
      %sub3A = arith.constant 1 : i32
      %sub3A_119 = arith.subi %scan3A_117#7, %sub3A : i32
      %select_n3A_120 = arith.constant true
      %select_n3A_121 = arith.select %select_n3A_120, %sub3A_119, %scan3A_117#7 : i32
      %eq3A_122 = arith.constant -1 : i32
      %eq3A_123 = arith.cmpi eq, %select_n3A_121, %eq3A_122 : i32
      %select_n3A_124 = arith.constant 3 : i32
      %select_n3A_125 = arith.select %eq3A_123, %select_n3A_124, %select_n3A_121 : i32
      %sub3A_126 = arith.constant 1 : i32
      %sub3A_127 = arith.subi %scan3A_117#6, %sub3A_126 : i32
      %select_n3A_128 = arith.select %eq3A_123, %sub3A_127, %scan3A_117#6 : i32
      %eq3A_129 = arith.constant -1 : i32
      %eq3A_130 = arith.cmpi eq, %select_n3A_128, %eq3A_129 : i32
      %select_n3A_131 = arith.constant 15 : i32
      %select_n3A_132 = arith.select %eq3A_130, %select_n3A_131, %select_n3A_128 : i32
      %add3A_133 = arith.addi %select_n3A_132, %mul3A_6 : i32
      %add3A_134 = arith.constant 0 : i32
      %add3A_135 = arith.addi %select_n3A_125, %add3A_134 : i32
      %sub3A_136 = arith.constant 1 : i32
      %sub3A_137 = arith.subi %select_n3A_125, %sub3A_136 : i32
      %select_n3A_138 = arith.constant true
      %select_n3A_139 = arith.select %select_n3A_138, %sub3A_137, %select_n3A_125 : i32
      %eq3A_140 = arith.constant -1 : i32
      %eq3A_141 = arith.cmpi eq, %select_n3A_139, %eq3A_140 : i32
      %select_n3A_142 = arith.constant 3 : i32
      %select_n3A_143 = arith.select %eq3A_141, %select_n3A_142, %select_n3A_139 : i32
      %sub3A_144 = arith.constant 1 : i32
      %sub3A_145 = arith.subi %select_n3A_132, %sub3A_144 : i32
      %select_n3A_146 = arith.select %eq3A_141, %sub3A_145, %select_n3A_132 : i32
      %eq3A_147 = arith.constant -1 : i32
      %eq3A_148 = arith.cmpi eq, %select_n3A_146, %eq3A_147 : i32
      %select_n3A_149 = arith.constant 15 : i32
      %select_n3A_150 = arith.select %eq3A_148, %select_n3A_149, %select_n3A_146 : i32
      %add3A_151 = arith.addi %select_n3A_150, %mul3A_6 : i32
      %add3A_152 = arith.constant 0 : i32
      %add3A_153 = arith.addi %select_n3A_143, %add3A_152 : i32
      %add3A_154 = arith.constant 1 : i32
      %add3A_155 = arith.addi %select_n3A_125, %add3A_154 : i32
      %select_n3A_156 = arith.constant true
      %select_n3A_157 = arith.select %select_n3A_156, %add3A_155, %select_n3A_125 : i32
      %eq3A_158 = arith.constant 4 : i32
      %eq3A_159 = arith.cmpi eq, %select_n3A_157, %eq3A_158 : i32
      %select_n3A_160 = arith.constant 0 : i32
      %select_n3A_161 = arith.select %eq3A_159, %select_n3A_160, %select_n3A_157 : i32
      %add3A_162 = arith.constant 1 : i32
      %add3A_163 = arith.addi %select_n3A_132, %add3A_162 : i32
      %select_n3A_164 = arith.select %eq3A_159, %add3A_163, %select_n3A_132 : i32
      %eq3A_165 = arith.constant 16 : i32
      %eq3A_166 = arith.cmpi eq, %select_n3A_164, %eq3A_165 : i32
      %select_n3A_167 = arith.constant 0 : i32
      %select_n3A_168 = arith.select %eq3A_166, %select_n3A_167, %select_n3A_164 : i32
      %add3A_169 = arith.addi %select_n3A_168, %mul3A_6 : i32
      %add3A_170 = arith.constant 0 : i32
      %add3A_171 = arith.addi %select_n3A_161, %add3A_170 : i32
      %add3A_172 = arith.constant 1 : i32
      %add3A_173 = arith.addi %select_n3A_161, %add3A_172 : i32
      %select_n3A_174 = arith.constant true
      %select_n3A_175 = arith.select %select_n3A_174, %add3A_173, %select_n3A_161 : i32
      %eq3A_176 = arith.constant 4 : i32
      %eq3A_177 = arith.cmpi eq, %select_n3A_175, %eq3A_176 : i32
      %select_n3A_178 = arith.constant 0 : i32
      %select_n3A_179 = arith.select %eq3A_177, %select_n3A_178, %select_n3A_175 : i32
      %add3A_180 = arith.constant 1 : i32
      %add3A_181 = arith.addi %select_n3A_168, %add3A_180 : i32
      %select_n3A_182 = arith.select %eq3A_177, %add3A_181, %select_n3A_168 : i32
      %eq3A_183 = arith.constant 16 : i32
      %eq3A_184 = arith.cmpi eq, %select_n3A_182, %eq3A_183 : i32
      %select_n3A_185 = arith.constant 0 : i32
      %select_n3A_186 = arith.select %eq3A_184, %select_n3A_185, %select_n3A_182 : i32
      %add3A_187 = arith.addi %select_n3A_186, %mul3A_6 : i32
      %add3A_188 = arith.constant 0 : i32
      %add3A_189 = arith.addi %select_n3A_179, %add3A_188 : i32
      "tpu.trace_start"() <{level = 10 : i32, message = "ep_finalize"}> : () -> ()
      %rem3A_190 = arith.constant 2 : i32
      %rem3A_191 = arith.remui %scan3A_117#5, %rem3A_190 : i32
      %mul3A_192 = arith.constant 512 : i32
      %mul3A_193 = arith.muli %add3A_135, %mul3A_192 : i32
      %add3A_194 = arith.addi %mul3A_193, %add3A_133 : i32
      %mul3A_195 = arith.constant 16384 : i32
      %mul3A_196 = arith.muli %mul3A_195, %add3A_194 : i32
      %mul3A_197 = arith.constant 16384 : i32
      %mul3A_198 = arith.muli %rem3A_191, %mul3A_197 : i32
      %add3A_199 = arith.constant 0 : i32
      %add3A_200 = arith.addi %mul3A_198, %add3A_199 : i32
      %dma_wait3A = tpu.memref_slice %run_scoped3A_10[%add3A_200] : memref<32768xf32, #tpu.memory_space<vmem>> -> memref<16384xf32, #tpu.memory_space<vmem>>
      %dma_wait3A_201 = tpu.memref_slice %arg4[%mul3A_196] : memref<33554432xf32, #tpu.memory_space<hbm>> -> memref<16384xf32, #tpu.memory_space<hbm>>
      %dma_wait3A_202 = tpu.memref_slice %run_scoped3A_11[%rem3A_191] : memref<2x!tpu.dma_semaphore, #tpu.memory_space<semaphore_mem>> -> memref<1x!tpu.dma_semaphore, #tpu.memory_space<semaphore_mem>>
      %dma_wait3A_203 = tpu.memref_squeeze %dma_wait3A_202 : memref<1x!tpu.dma_semaphore, #tpu.memory_space<semaphore_mem>> -> memref<!tpu.dma_semaphore, #tpu.memory_space<semaphore_mem>>
      %dma_wait3A_204 = tpu.memref_slice %arg4[%mul3A_196] : memref<33554432xf32, #tpu.memory_space<hbm>> -> memref<16384xf32, #tpu.memory_space<hbm>>
      %dma_wait3A_205 = tpu.memref_slice %run_scoped3A_10[%add3A_200] : memref<32768xf32, #tpu.memory_space<vmem>> -> memref<16384xf32, #tpu.memory_space<vmem>>
      tpu.wait_dma2 semaphore(%dma_wait3A_203 : memref<!tpu.dma_semaphore, #tpu.memory_space<semaphore_mem>>) src(%dma_wait3A_205 : memref<16384xf32, #tpu.memory_space<vmem>>) dst(%dma_wait3A_204 : memref<16384xf32, #tpu.memory_space<hbm>>)
      "tpu.trace_stop"() : () -> ()
      tpu.yield
    }) : () -> ()
    return
  }
}

</mosaic_0001>

<sc_bundles>
// kernel: kernel.3.cloned.1.call-start
scs
__scs_entry_jumppad:
0x0: {  	(pc) =	sbr.rel $0x88, $3  }
0x1: {  	(tag) =	ssettag $0x0;
	lr =	simm.s32 $0x1  }
0x2: {  	[smem:$0x3F9F] =	sst lr;
	_ =	strace $0xD0000000  }
0x3: {  	_ = 	snop  }
0x4: {  	_ = 	snop  }
0x5: {  	_ = 	snop  }
0x6: {  	_ = 	snop  }
0x7: {  	_ = 	snop  }
__scs_overlays_trampoline_lowered:
0x8: {  	[smem:$0x3FAE] =	sst s0  }
0x9: {  	[smem:$0x3FAF] =	sst s1  }
0xa: {  	[smem:$0x3FB0] =	sst s2  }
0xb: {  	[smem:$0x3FB1] =	sst s3  }
0xc: {  	[smem:$0x3FB2] =	sst s4  }
0xd: {  	[smem:$0x3FB3] =	sst s5  }
0xe: {  	[smem:$0x3FB4] =	sst s6  }
0xf: {  	[smem:$0x3FB5] =	sst s7  }
0x10: {  	[smem:$0x3FB6] =	sst s8  }
0x11: {  	[smem:$0x3FB7] =	sst s9;
	s0 =	simm.s32 @!p0 $0x0  }
0x12: {  	s1 =	sld [smem:$0x3F9D];
	s0 =	simm.s32 @p0 $0x1  }
0x13: {  	[smem:$0x3FB8] =	sst s0;
	s0 =	simm.s32 @!p1 $0x0  }
0x14: {  	s2 =	sld [smem:$0x3F9C];
	s0 =	simm.s32 @p1 $0x1  }
0x15: {  	[smem:$0x3FB9] =	sst s0;
	s0 =	simm.s32 @!p2 $0x0  }
0x16: {  	s3 =	sld [smem:$0x3FDB];
	s0 =	simm.s32 @p2 $0x1  }
0x17: {  	s4 =	simm.s32 $0x1BF5;
	[smem:$0x3FBB] =	sst s0  }
0x18: {  	s0 =	sld [smem:$0x3F9E];
	_ =	swait.ge [sflag:s4], $0x0  }
0x19: {  	s7 =	sld [smem:$0x3F9F]  }
0x1a: {  	s8 =	sadd.s32 $0xFFFFE003, lr  }
0x1b: {  	s9 =	sadd.s32 $0xFFFFFEF7, lr;
	s5 =	simm.s32 $0xFFFFFFFF;
	p2 =	slt.u32 s8, $0xFFFFF086  }
0x1c: {  	p1 =	slt.u32 s9, $0xF7A;
	s5 =	simm.s32 @!p2 $0x0  }
0x1d: {  	s5 =	simm.s32 @p1 $0x1;
	p0 =	seq.s32 s7, s2  }
0x1e: {  	s7 =	smul.u32 @!p0 $0xF7A, s2;
	p2 =	seq.s32 @!p0 s5, $0x0  }
0x1f: {  	s9 =	smul.u32 $0xF7A, s1;
	s8 =	simm.s32 @!p0 $0x1BF5;
	p2 =	por !p2, p0  }
0x20: {  	[sflag:s8] =	ssyncset.s32 @!p0 $0xFFFFF086;
	s6 =	sadd.s32 @!p0 s3, s7;
	s7 =	simm.s32 @!p0 $0x108  }
0x21: {  	s3 =	sadd.s32 s3, s9;
	s6 =	sadd.s32 @!p0 $0x88, s6;
	s7 =	simm.s32 @p2 $0x1082  }
0x22: {  	[simem:s7], [sflag:s8] =	dma.local @!p0 [hbm:s6], $0xF7A  }
0x23: {  	s9 =	sor.u32 $0xD0000000, s2;
	s6 =	simm.s32 $0x108;
	_ =	swait.ge @!p0 [sflag:s8], $0x0  }
0x24: {  	s3 =	sadd.s32 $0x88, s3;
	s6 =	simm.s32 @!p1 $0x1082;
	[sflag:s4] =	ssyncset.s32 $0xFFFFF086  }
0x25: {  	[simem:s6], [sflag:s4] =	dma.local [hbm:s3], $0xF7A  }
0x26: {  	[smem:$0x3F9F] =	sst s1;
	(tag) =	ssettag s2;
	_ =	strace s9  }
0x27: {  	s1 =	sld [smem:$0x3FAF]  }
0x28: {  	s2 =	sld [smem:$0x3FB0]  }
0x29: {  	s4 =	sld [smem:$0x3FB2]  }
0x2a: {  	p0 =	seq.s32 s5, $0x0;
	s5 =	sld [smem:$0x3FB3]  }
0x2b: {  	s6 =	sld [smem:$0x3FB4]  }
0x2c: {  	s7 =	sld [smem:$0x3FB5]  }
0x2d: {  	s3 =	simm.s32 $0x108;
	s8 =	sld [smem:$0x3FB6]  }
0x2e: {  	s3 =	simm.s32 @!p0 $0x1082;
	s9 =	sld [smem:$0x3FB7]  }
0x2f: {  	lr =	sadd.s32 s0, s3;
	s0 =	sld [smem:$0x3FAE]  }
0x30: {  	s3 =	sld [smem:$0x3FB1]  }
0x31: {  	[smem:$0x3FBA] =	sst s10  }
0x32: {  	s10 =	sld [smem:$0x3FB8];
	_ =	sdelay $0x3  }
0x33: {  	p0 =	seq.s32 s10, $0x1;
	s10 =	sld [smem:$0x3FBA];
	_ =	sdelay $0x3  }
0x34: {  	[smem:$0x3FBA] =	sst s10  }
0x35: {  	s10 =	sld [smem:$0x3FB9];
	_ =	sdelay $0x3  }
0x36: {  	p1 =	seq.s32 s10, $0x1;
	s10 =	sld [smem:$0x3FBA];
	_ =	sdelay $0x3  }
0x37: {  	[smem:$0x3FBA] =	sst s10  }
0x38: {  	s10 =	sld [smem:$0x3FBB]  }
0x39: {  	_ = 	snop;
	(pc) =	sbr.ind lr, $3  }
0x3a: {  	_ = 	snop  }
0x3b: {  	_ = 	snop  }
0x3c: {  	p2 =	seq.s32 s10, $0x1;
	s10 =	sld [smem:$0x3FBA]  }
0x3d: {  	_ =	shalt  }
0x3e: {  	_ =	shalt  }
0x3f: {  	_ =	shalt  }
0x40: {  	_ =	shalt  }
0x41: {  	_ =	shalt  }
0x42: {  	_ =	shalt  }
0x43: {  	_ =	shalt  }
0x44: {  	_ =	shalt  }
0x45: {  	_ =	shalt  }
0x46: {  	_ =	shalt  }
0x47: {  	_ =	shalt  }
0x48: {  	_ =	shalt  }
0x49: {  	_ =	shalt  }
0x4a: {  	_ =	shalt  }
0x4b: {  	_ =	shalt  }
0x4c: {  	_ =	shalt  }
0x4d: {  	_ =	shalt  }
0x4e: {  	_ =	shalt  }
0x4f: {  	_ =	shalt  }
0x50: {  	_ =	shalt  }
0x51: {  	_ =	shalt  }
0x52: {  	_ =	shalt  }
0x53: {  	_ =	shalt  }
0x54: {  	_ =	shalt  }
0x55: {  	_ =	shalt  }
0x56: {  	_ =	shalt  }
0x57: {  	_ =	shalt  }
0x58: {  	_ =	shalt  }
0x59: {  	_ =	shalt  }
0x5a: {  	_ =	shalt  }
0x5b: {  	_ =	shalt  }
0x5c: {  	_ =	shalt  }
0x5d: {  	_ =	shalt  }
0x5e: {  	_ =	shalt  }
0x5f: {  	_ =	shalt  }
0x60: {  	_ =	shalt  }
0x61: {  	_ =	shalt  }
0x62: {  	_ =	shalt  }
0x63: {  	_ =	shalt  }
0x64: {  	_ =	shalt  }
0x65: {  	_ =	shalt  }
0x66: {  	_ =	shalt  }
0x67: {  	_ =	shalt  }
0x68: {  	_ =	shalt  }
0x69: {  	_ =	shalt  }
0x6a: {  	_ =	shalt  }
0x6b: {  	_ =	shalt  }
0x6c: {  	_ =	shalt  }
0x6d: {  	_ =	shalt  }
0x6e: {  	_ =	shalt  }
0x6f: {  	_ =	shalt  }
0x70: {  	_ =	shalt  }
0x71: {  	_ =	shalt  }
0x72: {  	_ =	shalt  }
0x73: {  	_ =	shalt  }
0x74: {  	_ =	shalt  }
0x75: {  	_ =	shalt  }
0x76: {  	_ =	shalt  }
0x77: {  	_ =	shalt  }
0x78: {  	_ =	shalt  }
0x79: {  	_ =	shalt  }
0x7a: {  	_ =	shalt  }
0x7b: {  	_ =	shalt  }
0x7c: {  	_ =	shalt  }
0x7d: {  	_ =	shalt  }
0x7e: {  	_ =	shalt  }
0x7f: {  	_ =	shalt  }
0x80: {  	_ =	shalt  }
0x81: {  	_ =	shalt  }
0x82: {  	_ =	shalt  }
0x83: {  	_ =	shalt  }
0x84: {  	_ =	shalt  }
0x85: {  	_ =	shalt  }
0x86: {  	_ =	shalt  }
0x87: {  	_ =	shalt  }
.Lfunc_end0:
.L_simem_size_0:
called_computation.2_lowered:
.L_overlay_start_0:
0x88: {  	s2 =	sld [smem:$0x3FD9]  }
0x89: {  	s3 =	sld [smem:$0x3FFE];
	_ =	sdelay $0x1  }
0x8a: {  	s1 =	srdreg.scid  }
0x8b: {  	s0 =	sand.u32 $0x1, s1  }
0x8c: {  	s17 =	sshll.u32 s0, $0xA;
	s2 =	sadd.s32 s3, s2  }
0x8d: {  	s2 =	sadd.s32 s2, s17  }
0x8e: {  	[smem:$0x3FC6] =	sst s2  }
0x8f: {  	_ = 	snop  }
0x90: {  	s2 =	sld [smem:$0x3FD0];
	(tm) =	ssettm $0x1  }
0x91: {  	s18 =	sld [smem:$0x3FFB];
	_ =	sdelay $0x3  }
0x92: {  	_ =	strace s18  }
0x93: {  	s3 =	sld [smem:$0x3FFC];
	_ =	sdelay $0x3  }
0x94: {  	_ =	strace s3  }
0x95: {  	s3 =	sld [smem:$0x3FFD];
	_ =	sdelay $0x3  }
0x96: {  	_ =	strace s3  }
0x97: {  	_ =	strace $0x8FFFFFFF  }
0x98: {  	s19 =	sld [smem:$0x3FDB];
	_ =	sdelay $0x1  }
0x99: {  	s4 =	simm.s32 $_scs_section_size  }
0x9a: {  	s5 =	simm.s32 $_size__tile_overlayer_lowered;
	s6 =	simm.s32 $_tile_overlayer_lowered  }
0x9b: {  	s22 =	simm.s32 $0x1BFF;
	s21 =	sshll.u32 s6, $0x1;
	s3 =	sadd.s32 s4, s19  }
0x9c: {  	s7 =	simm.s32 $0x0;
	s20 =	sshll.u32 s5, $0x1;
	s5 =	sadd.s32 s21, s3  }
0x9d: {  	[timem:s7], [sflag:s22] =	dma.local [hbm:s5], s20  }
0x9e: {  	_ =	swait.ge [sflag:s22], s20  }
0x9f: {  	s4 =	ssub.s32 $0x0, s20;
	[sflag:s22] =	ssyncset.done $0x0  }
0xa0: {  	[sflag:s22] =	ssyncadd.s32 s4;
	_ =	sdelay $0x1  }
0xa1: {  	s23 =	simm.s32 $0x1B8B  }
0xa2: {  	_ =	swait.ge [sflag:s23], $0x1  }
0xa3: {  	[sflag:s23] =	ssyncset.done $0x0  }
0xa4: {  	s25 =	simm.s32 $0x1B8E;
	s24 =	sld [smem:$0x3FFE];
	[sflag:s23] =	ssyncadd.s32 $0xFFFFFFFF  }
0xa5: {  	s26 =	simm.s32 $execute0_lowered;
	[smem:$0x3FD2] =	sst s25  }
0xa6: {  	s5 =	sshll.u32 s26, $0x1;
	_ =	strace $0x8000004C;
	[dreg:$0x1] =	wrdreg $0xFFFFFFFF  }
0xa7: {  	s28 =	simm.s32 $_size_execute0_lowered;
	s3 =	sadd.s32 s3, s5;
	[dreg:$0x0] =	wrdreg $0x0  }
0xa8: {  	s5 =	sshll.u32 s28, $0x1;
	[dreg:$0x2] =	wrdreg s3  }
0xa9: {  	[dreg:$0x3] =	wrdreg s5  }
0xaa: {  	[dreg:$0x4] =	wrdreg $0xC0  }
0xab: {  	_ =	task [dreg:s7], $0x5FFFF  }
0xac: {  	[dreg:$0x1] =	wrdreg $0xFFFFFFFF  }
0xad: {  	[dreg:$0x0] =	wrdreg $0x60  }
0xae: {  	[dreg:$0x2] =	wrdreg s2  }
0xaf: {  	[dreg:$0x3] =	wrdreg s24  }
0xb0: {  	[dreg:$0x4] =	wrdreg $0x9  }
0xb1: {  	_ =	task.clear_ibuf [dreg:s7], $0x5FFFF;
	_ =	strace $0x9000004C  }
0xb2: {  	s29 =	simm.s32 $0x9;
	_ =	strace $0x80000057  }
0xb3: {  	_ =	swait.ge [sflag:s29], $0x1  }
0xb4: {  	[sflag:s29] =	ssyncadd.s32 $0xFFFFFFFF  }
0xb5: {  	_ =	strace $0x90000057  }
0xb6: {  	_ =	sfence  }
0xb7: {  	s30 =	sld [smem:$0x0];
	_ =	sdelay $0x2  }
0xb8: {  	s31 =	sshll.u32 s1, $0xD;
	s1 =	sshrl.u32 s1, $0x2  }
0xb9: {  	s3 =	sand.u32 $0x4000, s31;
	s1 =	sadd.s32 s1, s30  }
0xba: {  	s0 =	sor.u32 s3, s0;
	s1 =	sshll.u32 s1, $0x11  }
0xbb: {  	s0 =	sor.u32 s1, s0  }
0xbc: {  	s0 =	sadd.s32 $0x8F2B, s0  }
0xbd: {  	[sflag:s0] =	ssyncadd.remote.s32 $0x1  }
0xbe: {  	_ =	sfence.sel $0xFFFF  }
0xbf: {  	[dreg:$0x0] =	wrdreg $0xFFFFFFFF;
	(pc) =	sbr.abs _section_cstart, $3  }
0xc0: {  	[dreg:$0x1] =	wrdreg $0xFFFFFFFF  }
0xc1: {  	_ =	task.clear_ibuf [dreg:s7], $0x2FFFF;
	_ =	strace $0x9FFFFFFF  }
0xc2: {  	(tm) =	ssettm $0x7FFFFFFF  }
0xc3: {  	_ =	shalt  }
tec
execute0_lowered:
.L_overlay_start_1:
0x0: {  	(tag) =	ssettag $0x1  }
0x1: {  	s1 =	rddreg [dreg:$0x0]  }
0x2: {  	s5 =	rddreg [dreg:$0x1]  }
0x3: {  	s0 =	rddreg [dreg:$0x2];
	s2 =	simm.s32 $0x0;
	s3 =	srdreg.scid  }
0x4: {  	s10 =	simm.s32 $0x8000;
	s11 =	simm.s32 $0x0;
	[smem:$0x7FF] =	sst s2  }
0x5: {  	s4 =	sand.u32 $0x1, s3;
	s3 =	stileid.u32;
	_ =	strace $0x8000004D  }
0x6: {  	s6 =	ssub.s32 $0x2, s4;
	s7 =	sshll.u32 s4, $0x4;
	s4 =	sadd.s32 $0xC00, s5  }
0x7: {  	s5 =	sadd.s32 $0x100C00, s5;
	s8 =	sshrl.u32 s6, $0x1;
	s7 =	sor.u32 s3, s7  }
0x8: {  	s9 =	ssub.s32 s6, s8;
	s31 =	sshll.u32 s7, $0xF;
	s6 =	sshll.u32 s7, $0x4  }
0x9: {  	s7 =	sadd.s32 s1, s31;
	s8 =	sadd.s32 s4, s31;
	s9 =	smax.u32 s9, $0x1  }
.LBB2_1:
0xa: {  	_ =	strace $0x8000004E;
	s13 =	simm.s32 $0x0  }
0xb: {  	s22 =	simm.s32 $0x0;
	s12 =	simm.s32 $0x0;
	s14 =	simm.s32 $0x0  }
0xc: {  	[tilespmem:s2], [sflag:$0x1] =	stream.linear.gather [hbm4b:s7+s2], $0x4000, $0x200038;
	[tilespmem:$0x18000] =	vst v63  }
0xd: {  	s15 =	simm.s32 $0x0;
	s16 =	simm.s32 $0x1;
	s17 =	simm.s32 $0x0  }
0xe: {  	[tilespmem:s10], [sflag:$0x3] =	stream.linear.gather [hbm4b:s8+s2], $0x4000, $0x200038;
	[tilespmem:$0x18000] =	vst v63  }
0xf: {  	s18 =	simm.s32 $0x1;
	s19 =	simm.s32 $0x0;
	_ =	strace $0x9000004E  }
.LBB2_2:
0x10: {  	s23 =	smov.u32 s13;
	s13 =	sadd.s32 $0x1, s13  }
0x11: {  	s20 =	simm.s32 $0x1;
	p0 =	seq.s32 s13, $0x4  }
0x12: {  	s20 =	simm.s32 @!p0 $0x0  }
0x13: {  	s20 =	sadd.s32 s20, s22  }
0x14: {  	p1 =	seq.s32 s20, $0x10  }
0x15: {  	s21 =	sadd.s32 s6, s22;
	s13 =	simm.s32 @p0 $0x0;
	s20 =	simm.s32 @p1 $0x0  }
0x16: {  	s25 =	sshll.u32 s23, $0x9;
	s26 =	sshll.u32 s13, $0x9;
	s24 =	sadd.s32 s6, s20  }
0x17: {  	s21 =	sadd.s32 s25, s21;
	s26 =	sadd.s32 s26, s24  }
0x18: {  	p3 =	sne.s32 s19, $0x3F;
	p1 =	sne.s32 s21, s26  }
0x19: {  	p0 =	sne.s32 s22, s20;
	p6 =	por !p3, !p1  }
0x1a: {  	p4 =	seq.s32 s23, $0x0;
	p3 =	por !p3, !p0;
	p2 =	por !p6, !p6  }
0x1b: {  	s23 =	simm.s32 $0x1;
	p3 =	por !p3, !p3;
	_ =	strace @p2 $0x8000004F  }
0x1c: {  	s28 =	sand.u32 @p2 $0x1, s18;
	s26 =	sshll.u32 @p2 s26, $0xB;
	s30 =	simm.s32 @p2 $0x0  }
0x1d: {  	s24 =	sshll.u32 @p3 s24, $0xB;
	s29 =	sshll.u32 @p2 s28, $0xE;
	s26 =	sand.u32 @p2 $0x1FFFF800, s26  }
0x1e: {  	s28 =	sadd.s32 @p2 $0x1, s28;
	s24 =	sand.u32 @p3 $0x1FFFF800, s24;
	s26 =	sadd.s32 @p2 s1, s26  }
0x1f: {  	[tilespmem:s29], [sflag:s28] =	stream.linear.gather @p2 [hbm4b:s26+s30], $0x4000, $0x200038;
	[tilespmem:$0x18000] =	vst v63  }
0x20: {  	s23 =	simm.s32 @!p4 $0x0;
	s24 =	sadd.s32 @p3 s4, s24;
	s26 =	sand.u32 @p3 $0x1, s16  }
0x21: {  	s29 =	simm.s32 @p3 $0x0;
	_ =	strace @p2 $0x9000004F;
	s28 =	sshll.u32 @p3 s26, $0xE  }
0x22: {  	s26 =	sadd.s32 @p3 $0x3, s26;
	_ =	strace @p3 $0x80000050;
	s28 =	sor.u32 @p3 $0x8000, s28  }
0x23: {  	[tilespmem:s28], [sflag:s26] =	stream.linear.gather @p3 [hbm4b:s24+s29], $0x4000, $0x200038;
	[tilespmem:$0x18000] =	vst v63  }
0x24: {  	s24 =	ssub.s32 s22, s23;
	s23 =	sadd.s32 $0xFFFFFE00, s25  }
0x25: {  	p5 =	seq.s32 s24, $0xFFFFFFFF;
	s23 =	simm.s32 @p4 $0x600  }
0x26: {  	s24 =	simm.s32 @p5 $0xF;
	s23 =	sor.u32 s6, s23  }
0x27: {  	p4 =	seq.s32 s19, $0x0;
	s23 =	sadd.s32 s24, s23  }
0x28: {  	p5 =	seq.s32 @!p4 s21, s23  }
0x29: {  	p5 =	por p4, !p5  }
0x2a: {  	_ =	strace @p3 $0x90000050;
	s25 =	sand.u32 @p5 $0x1, s17  }
0x2b: {  	_ =	strace @p5 $0x80000051;
	s25 =	sadd.s32 @p5 $0x1, s25  }
0x2c: {  	_ =	swait.ge @p5 [sflag:s25], $0x4000  }
0x2d: {  	[sflag:s25] =	ssyncset.done @p5 $0x0  }
0x2e: {  	[sflag:s25] =	ssyncadd.s32 @p5 $0xFFFFC000  }
0x2f: {  	_ =	strace @p5 $0x90000051;
	p5 =	seq.s32 @!p4 s22, s24  }
0x30: {  	p4 =	por p4, !p5  }
0x31: {  	s22 =	sand.u32 @p4 $0x1, s15  }
0x32: {  	_ =	strace @p4 $0x80000052;
	s22 =	sadd.s32 @p4 $0x3, s22  }
0x33: {  	_ =	swait.ge @p4 [sflag:s22], $0x4000  }
0x34: {  	s28 =	sshll.u32 s15, $0xE;
	[sflag:s22] =	ssyncset.done @p4 $0x0  }
0x35: {  	[sflag:s22] =	ssyncadd.s32 @p4 $0xFFFFC000;
	s22 =	sand.u32 $0x4000, s28  }
0x36: {  	s29 =	sshll.u32 s17, $0xE;
	s22 =	sor.u32 $0x8000, s22  }
0x37: {  	s31 =	sand.u32 $0x4000, s29;
	v0 =	vmov s22  }
0x38: {  	s26 =	simm.s32 $0x1;
	v2 =	vmov s31  }
0x39: {  	s26 =	simm.s32 @!p2 $0x0;
	s25 =	simm.s32 $0x0;
	s22 =	sand.u32 $0x1, s14  }
0x3a: {  	s28 =	simm.s32 $0x1;
	_ =	strace @p4 $0x90000052;
	s30 =	sshll.u32 s22, $0xE  }
0x3b: {  	s28 =	simm.s32 @!p3 $0x0;
	_ =	strace $0x80000053;
	s24 =	sor.u32 $0x10000, s30  }
0x3c: {  	s18 =	sadd.s32 s26, s18;
	s26 =	simm.s32 $0x40;
	s16 =	sadd.s32 s28, s16;
	v1 =	vmov s24;
	v3 =	vld.idx.msk [tilespmem:v0+s25+$0x0 ss:$0x1], $0xffff  }
.LBB2_3:
0x3d: {  	p2 =	sne.s32 s26, $0xFFC0;
	v4 =	vld.idx.msk [tilespmem:v2+s25+$0x0 ss:$0x1], $0xffff;
	_ =	sdelay $0x4  }
.Ltmp0:
0x3e: {  	(pc) =	sbr.rel @p2 .LBB2_3-.Ltmp0, $3  }
0x3f: {  	v3 =	vadd.f32 v3, v4;
	_ =	sdelay $0x1  }
0x40: {  	[tilespmem:v1+s25+$0x0 ss:$0x1] =	vst.idx.msk $0xffff, v3;
	s25 =	sshra.s32 s26, $0x2  }
0x41: {  	s26 =	sadd.s32 $0x40, s26;
	v3 =	vld.idx.msk [tilespmem:v0+s25+$0x0 ss:$0x1], $0xffff  }
0x42: {  	_ =	sdelay $0x3  }
0x43: {  	v0 =	vld.idx.msk [tilespmem:v2+s25+$0x0 ss:$0x1], $0xffff;
	_ =	sdelay $0x4  }
0x44: {  	p2 =	seq.s32 s19, $0x3F;
	v0 =	vadd.f32 v3, v0  }
0x45: {  	p3 =	sne.s32 s21, s23;
	p4 =	sne.s32 s19, $0x0;
	p1 =	por p2, p1  }
0x46: {  	p3 =	por !p4, !p3;
	s22 =	sadd.s32 @p1 $0x5, s22;
	[tilespmem:v1+s25+$0x0 ss:$0x1] =	vst.idx.msk $0xffff, v0;
	s25 =	sshll.u32 @p1 s21, $0xB  }
0x47: {  	s23 =	simm.s32 @p1 $0x0;
	_ =	strace $0x90000053;
	s21 =	sand.u32 @p1 $0x1FFFF800, s25  }
0x48: {  	p3 =	por !p3, !p3;
	_ =	strace @p1 $0x80000054;
	s21 =	sadd.s32 @p1 s5, s21  }
0x49: {  	[hbm4b:s21+s23] =	stream.linear.scatter @p1 [tilespmem:s24], [sflag:s22], $0x4000, $0x200038;
	[tilespmem:$0x18000] =	vst v63  }
0x4a: {  	s19 =	sadd.s32 $0x1, s19;
	p0 =	por p2, p0;
	s21 =	sand.u32 @p3 $0x1, s12  }
0x4b: {  	s23 =	simm.s32 $0x1;
	_ =	strace @p1 $0x90000054;
	s21 =	sadd.s32 @p3 $0x5, s21  }
0x4c: {  	s23 =	simm.s32 @!p0 $0x0;
	p0 =	sne.s32 s19, $0x40;
	_ =	strace @p3 $0x80000055  }
.Ltmp1:
0x4d: {  	s22 =	simm.s32 $0x1;
	_ =	swait.ge @p3 [sflag:s21], $0x4000;
	(pc) =	sbr.rel @p0 .LBB2_2-.Ltmp1, $4  }
0x4e: {  	s22 =	simm.s32 @!p1 $0x0;
	[sflag:s21] =	ssyncset.done @p3 $0x0  }
0x4f: {  	s14 =	sadd.s32 s22, s14;
	[sflag:s21] =	ssyncadd.s32 @p3 $0xFFFFC000;
	s21 =	simm.s32 $0x1  }
0x50: {  	s17 =	sadd.s32 s22, s17;
	s15 =	sadd.s32 s23, s15;
	s21 =	simm.s32 @!p3 $0x0  }
0x51: {  	s22 =	smov.u32 s20;
	_ =	strace @p3 $0x90000055;
	s12 =	sadd.s32 s21, s12  }
0x52: {  	s11 =	sadd.s32 $0x1, s11  }
0x53: {  	s12 =	sand.u32 $0x1, s12;
	p0 =	sne.s32 s11, s9  }
.Ltmp2:
0x54: {  	_ =	strace $0x80000056;
	s12 =	sadd.s32 $0x5, s12;
	(pc) =	sbr.rel @p0 .LBB2_1-.Ltmp2, $4  }
0x55: {  	_ =	swait.ge [sflag:s12], $0x4000  }
0x56: {  	[sflag:s12] =	ssyncset.done $0x0  }
0x57: {  	[sflag:s12] =	ssyncadd.s32 $0xFFFFC000  }
0x58: {  	_ =	strace $0x90000056  }
0x59: {  	_ =	sfence.sel $0x180000  }
0x5a: {  	[bflag:$0x0] =	sbarrier.arrive $0xFFFF  }
0x5b: {  	p0 =	sne.s32 s3, $0x0;
	_ =	strace $0x9000004D  }
0x5c: {  	s0 =	sadd.s32 @!p0 $0x100000, s0;
	[bflag:$0x2] =	sbarrier.arrive $0xFFFF  }
0x5d: {  	[sflag:s0] =	ssyncadd.tile.s32 @!p0 $0x1;
	_ =	shalt  }
.Lfunc_end2:
_tile_overlayer_lowered:
.L_overlay_start_2:
0x5e: {  	(tag) =	ssettag $0x2  }
0x5f: {  	s0 =	rddreg [dreg:$0x0];
	s2 =	stileid.u32  }
0x60: {  	s1 =	rddreg [dreg:$0x1];
	p0 =	sne.s32 s2, $0x0  }
0x61: {  	s3 =	rddreg [dreg:$0x2];
	[bflag:$0x3] =	sbarrier.arrive $0xFFFF;
	s2 =	simm.s32 @!p0 $0x1C01  }
0x62: {  	[timem:s3], [sflag:s2] =	dma.local @!p0 [hbm:s0], s1  }
0x63: {  	s0 =	simm.s32 @!p0 $0x1  }
0x64: {  	_ =	swait.ge @!p0 [sflag:s0], s1  }
0x65: {  	s1 =	ssub.s32 @!p0 $0x0, s1;
	[sflag:s0] =	ssyncset.done @!p0 $0x0  }
0x66: {  	[sflag:s0] =	ssyncadd.s32 @!p0 s1  }
0x67: {  	[bflag:$0x3] =	sbarrier.arrive $0xFFFF  }
0x68: {  	_ =	shalt  }

// kernel: sparse-core-data-format-call.1.cloned.1.call-start
scs
called_computation.1_lowered:
.L_overlay_start_0:
0x0: {  	s2 =	sld [smem:$0x3FD9]  }
0x1: {  	s3 =	sld [smem:$0x3FFE];
	_ =	sdelay $0x1  }
0x2: {  	s1 =	srdreg.scid  }
0x3: {  	s0 =	sand.u32 $0x1, s1  }
0x4: {  	s19 =	sshll.u32 s0, $0xA;
	s2 =	sadd.s32 s3, s2  }
0x5: {  	s2 =	sadd.s32 s2, s19  }
0x6: {  	[smem:$0x3FC6] =	sst s2  }
0x7: {  	_ = 	snop  }
0x8: {  	s20 =	sld [smem:$0x3FC9]  }
0x9: {  	s4 =	sld [smem:$0x3FD0];
	(tm) =	ssettm $0x1  }
0xa: {  	s21 =	sld [smem:$0x3FFB];
	_ =	sdelay $0x3  }
0xb: {  	_ =	strace s21  }
0xc: {  	s2 =	sld [smem:$0x3FFC];
	_ =	sdelay $0x3  }
0xd: {  	_ =	strace s2  }
0xe: {  	s2 =	sld [smem:$0x3FFD];
	_ =	sdelay $0x3  }
0xf: {  	_ =	strace s2  }
0x10: {  	_ =	strace $0x8FFFFFFF  }
0x11: {  	s22 =	sld [smem:$0x3FDB];
	_ =	sdelay $0x1  }
0x12: {  	s5 =	simm.s32 $_scs_section_size  }
0x13: {  	s6 =	simm.s32 $_size__tile_overlayer_lowered;
	s7 =	simm.s32 $_tile_overlayer_lowered  }
0x14: {  	s8 =	simm.s32 $0x1BFF;
	s23 =	sshll.u32 s7, $0x1;
	s5 =	sadd.s32 s5, s22  }
0x15: {  	s24 =	simm.s32 $0x0;
	s6 =	sshll.u32 s6, $0x1;
	s7 =	sadd.s32 s23, s5  }
0x16: {  	[timem:s24], [sflag:s8] =	dma.local [hbm:s7], s6  }
0x17: {  	_ =	swait.ge [sflag:s8], s6  }
0x18: {  	s6 =	ssub.s32 $0x0, s6;
	[sflag:s8] =	ssyncset.done $0x0  }
0x19: {  	[sflag:s8] =	ssyncadd.s32 s6;
	_ =	sdelay $0x1  }
0x1a: {  	s25 =	simm.s32 $0x1B8B  }
0x1b: {  	_ =	swait.ge [sflag:s25], $0x1  }
0x1c: {  	[sflag:s25] =	ssyncset.done $0x0  }
0x1d: {  	[sflag:s25] =	ssyncadd.s32 $0xFFFFFFFF  }
0x1e: {  	s6 =	sld [smem:$0x0]  }
0x1f: {  	s7 =	sand.u32 $0xFFFFFFFE, s1  }
0x20: {  	p0 =	sne.s32 s1, s7  }
0x21: {  	s7 =	sshll.u32 @p0 s7, $0xE  }
0x22: {  	s7 =	sadd.s32 @p0 $0x11B8D, s7;
	s8 =	sshll.u32 @p0 s6, $0x11  }
0x23: {  	s7 =	sor.u32 @p0 s8, s7  }
0x24: {  	[sflag:s7] =	ssyncadd.remote.s32 @p0 $0x1;
	_ =	sdelay $0x1  }
0x25: {  	s7 =	simm.s32 @p0 $0x1B8D  }
0x26: {  	_ =	swait.eq @p0 [sflag:s7], $0x1  }
0x27: {  	[sflag:s7] =	ssyncadd.s32 @p0 $0xFFFFFFFF  }
0x28: {  	s8 =	sshll.u32 @!p0 s1, $0xE  }
0x29: {  	s8 =	sor.u32 @!p0 $0x4000, s8;
	s7 =	simm.s32 @!p0 $0x1B8D  }
0x2a: {  	s6 =	sshll.u32 @!p0 s6, $0x11;
	s8 =	sadd.s32 @!p0 $0x11B8D, s8;
	_ =	swait.eq @!p0 [sflag:s7], $0x1  }
0x2b: {  	s6 =	sor.u32 @!p0 s6, s8;
	[sflag:s7] =	ssyncadd.s32 @!p0 $0xFFFFFFFF  }
0x2c: {  	s26 =	simm.s32 $0x1B8E;
	[sflag:s6] =	ssyncadd.remote.s32 @!p0 $0x1  }
0x2d: {  	s27 =	simm.s32 $execute0_lowered;
	[smem:$0x3FD2] =	sst s26  }
0x2e: {  	s6 =	sshll.u32 s27, $0x1;
	_ =	strace $0x80000049;
	[dreg:$0x1] =	wrdreg $0xFFFFFFFF  }
0x2f: {  	s28 =	simm.s32 $_size_execute0_lowered;
	s5 =	sadd.s32 s5, s6;
	[dreg:$0x0] =	wrdreg $0x0  }
0x30: {  	s6 =	sshll.u32 s28, $0x1;
	[dreg:$0x2] =	wrdreg s5  }
0x31: {  	[dreg:$0x3] =	wrdreg s6  }
0x32: {  	[dreg:$0x4] =	wrdreg $0xC0  }
0x33: {  	_ =	task [dreg:s24], $0x5FFFF  }
0x34: {  	[dreg:$0x1] =	wrdreg $0xFFFFFFFF  }
0x35: {  	[dreg:$0x0] =	wrdreg $0x60  }
0x36: {  	[dreg:$0x2] =	wrdreg s20  }
0x37: {  	[dreg:$0x3] =	wrdreg s4  }
0x38: {  	[dreg:$0x4] =	wrdreg $0xA  }
0x39: {  	_ =	task.clear_ibuf [dreg:s24], $0x5FFFF;
	_ =	strace $0x90000049  }
0x3a: {  	s29 =	simm.s32 $0xA;
	_ =	strace $0x8000004B  }
0x3b: {  	_ =	swait.ge [sflag:s29], $0x1  }
0x3c: {  	[sflag:s29] =	ssyncadd.s32 $0xFFFFFFFF  }
0x3d: {  	_ =	strace $0x9000004B  }
0x3e: {  	_ =	sfence  }
0x3f: {  	s30 =	sld [smem:$0x0];
	_ =	sdelay $0x2  }
0x40: {  	s31 =	sshll.u32 s1, $0xD;
	s1 =	sshrl.u32 s1, $0x2  }
0x41: {  	s4 =	sand.u32 $0x4000, s31;
	s1 =	sadd.s32 s1, s30  }
0x42: {  	s0 =	sor.u32 s4, s0;
	s1 =	sshll.u32 s1, $0x11  }
0x43: {  	s0 =	sor.u32 s1, s0  }
0x44: {  	s0 =	sadd.s32 $0x8F2B, s0  }
0x45: {  	[sflag:s0] =	ssyncadd.remote.s32 $0x1  }
0x46: {  	_ =	sfence.sel $0xFFFF  }
0x47: {  	[dreg:$0x0] =	wrdreg $0xFFFFFFFF;
	(pc) =	sbr.abs _section_cstart, $3  }
0x48: {  	[dreg:$0x1] =	wrdreg $0xFFFFFFFF  }
0x49: {  	_ =	task.clear_ibuf [dreg:s24], $0x2FFFF;
	_ =	strace $0x9FFFFFFF  }
0x4a: {  	(tm) =	ssettm $0x7FFFFFFF  }
0x4b: {  	_ =	shalt  }
tec
execute0_lowered:
.L_overlay_start_1:
0x0: {  	(tag) =	ssettag $0x1  }
0x1: {  	s0 =	srdreg.scid  }
0x2: {  	s1 =	sshll.u32 s0, $0x4  }
0x3: {  	s2 =	rddreg [dreg:$0x0];
	s0 =	stileid.u32;
	s1 =	sand.u32 $0x10, s1  }
0x4: {  	s4 =	rddreg [dreg:$0x1];
	s1 =	sor.u32 s0, s1  }
0x5: {  	s7 =	simm.s32 $0x1;
	s8 =	simm.s32 $0x2;
	s3 =	sshll.u32 s1, $0x1  }
0x6: {  	s9 =	simm.s32 $0x0;
	s12 =	simm.s32 $0x0;
	s6 =	ssub.s32 $0x1000, s3  }
.Ltmp0:
0x7: {  	s11 =	simm.s32 $0x0;
	s5 =	sand.u32 $0x3E, s6;
	(pc) =	sbr.rel .LBB1_1-.Ltmp0, $4  }
0x8: {  	s1 =	rddreg [dreg:$0x2];
	_ =	strace $0x8000004A;
	p0 =	sne.s32 s5, $0x0  }
0x9: {  	s6 =	sshrl.u32 s6, $0x6;
	s5 =	simm.s32 $0x1;
	s7 =	simm.s32 @!p0 $0x0  }
0xa: {  	s10 =	smov.u32 s3;
	[sflag:s5] =	ssyncpa.u1 $0x0;
	s6 =	sadd.s32 s7, s6  }
0xb: {  	[sflag:s8] =	ssyncpa.u1 $0x0;
	s8 =	simm.s32 $0x0;
	s7 =	sadd.s32 $0x1, s6  }
.LBB1_9:
0xc: {  	s14 =	sadd.s32 $0x40, s10  }
0xd: {  	p1 =	sgt.s32 s14, $0xFFF  }
0xe: {  	s14 =	smov.u32 @p1 s3;
	p1 =	sne.s32 s11, s7  }
.Ltmp1:
0xf: {  	p0 =	slt.u32 s11, $0x2;
	(pc) =	sbr.rel @!p1 .LBB1_10-.Ltmp1, $4  }
0x10: {  	s13 =	simm.s32 @!p0 $0x2  }
0x11: {  	s15 =	sadd.s32 $0x1, s11;
	_ =	swait.ge @!p0 [sflag:s13], $0x4000  }
0x12: {  	s12 =	smov.u32 s10;
	s9 =	sadd.s32 $0x4000, s9;
	[sflag:s13] =	ssyncset.done @!p0 $0x0  }
0x13: {  	s11 =	smov.u32 s15;
	s10 =	smov.u32 s14;
	[sflag:s13] =	ssyncadd.s32 @!p0 $0xFFFFC000  }
.LBB1_1:
0x14: {  	p0 =	sge.u32 s11, s6  }
0x15: {  	s13 =	sxor.u32 @!p0 $0xFFFFFFFF, s11  }
0x16: {  	s31 =	sadd.s32 $0xFFFFFFFF, s11;
	s14 =	sshll.u32 @!p0 s10, $0xA;
	s13 =	sshll.u32 @!p0 s13, $0xE  }
0x17: {  	s15 =	simm.s32 @!p0 $0x0;
	s14 =	sadd.s32 @!p0 s2, s14;
	s13 =	sand.u32 @!p0 $0x4000, s13  }
0x18: {  	[tilespmem:s13], [sflag:$0x1] =	stream.linear.gather @!p0 [hbm4b:s14+s15], $0x4000, $0x38;
	[tilespmem:$0x10000] =	vst v63  }
0x19: {  	p0 =	sge.u32 s31, s6  }
.Ltmp2:
0x1a: {  	_ = 	snop;
	(pc) =	sbr.rel @p0 .LBB1_9-.Ltmp2, $1  }
0x1b: {  	_ =	sdelay $0x3  }
0x1c: {  	s13 =	sshll.u32 s9, $0x2  }
0x1d: {  	_ =	swait.ge [sflag:s5], $0x4000;
	s14 =	sshll.u32 s11, $0xE;
	s16 =	simm.s32 $0x0  }
0x1e: {  	p1 =	por $0x1, $0x1;
	s13 =	sand.u32 $0x10000, s13;
	[sflag:s5] =	ssyncset.done $0x0  }
0x1f: {  	s14 =	sand.u32 $0x4000, s14;
	s15 =	sshrl.u32 s13, $0x2;
	[sflag:s5] =	ssyncadd.s32 $0xFFFFC000  }
0x20: {  	s13 =	sor.u32 $0x8000, s14;
	s14 =	sadd.s32 $0x8040, s15;
	s15 =	sadd.s32 $0x40, s15  }
.LBB1_3:
0x21: {  	s16 =	sshll.u32 s16, $0x2  }
0x22: {  	p0 =	por p1, p1;
	s17 =	sshra.s32 s16, $0x2  }
0x23: {  	s18 =	simm.s32 $0x0;
	s16 =	sadd.s32 s17, s14;
	s17 =	sadd.s32 s17, s15  }
.LBB1_4:
0x24: {  	v0 =	vmov s17;
	_ =	sdelay $0x3  }
0x25: {  	s20 =	simm.s32 $0x0  }
0x26: {  	v6 =	vld.idx.msk [tilespmem:v0+s20+$0x30 ss:$0x1], $0xffff  }
0x27: {  	v7 =	vld.idx.msk [tilespmem:v0+s20+$0xFFFFFFC0 ss:$0x1], $0xffff  }
0x28: {  	v5 =	vld.idx.msk [tilespmem:v0+s20+$0xFFFFFFD0 ss:$0x1], $0xffff  }
0x29: {  	v4 =	vld.idx.msk [tilespmem:v0+s20+$0xFFFFFFE0 ss:$0x1], $0xffff  }
0x2a: {  	v3 =	vld.idx.msk [tilespmem:v0+s20+$0xFFFFFFF0 ss:$0x1], $0xffff  }
0x2b: {  	v1 =	vld.idx.msk [tilespmem:v0+s20+$0x0 ss:$0x1], $0xffff  }
0x2c: {  	v2 =	vld.idx.msk [tilespmem:v0+s20+$0x10 ss:$0x1], $0xffff;
	[tilespmem:s16+$0x30] =	vst v6  }
0x2d: {  	s19 =	simm.s32 $0x80;
	s21 =	simm.s32 $0x400;
	[tilespmem:s16+$0xFFFFFFC0] =	vst v7;
	v6 =	vld.idx.msk [tilespmem:v0+s20+$0x20 ss:$0x1], $0xffff;
	s20 =	smov.u32 s16  }
.LBB1_5:
0x2e: {  	p1 =	sne.s32 s21, $0xE00;
	v7 =	vld.idx.msk [tilespmem:v0+s19+$0x30 ss:$0x1], $0xffff;
	[tilespmem:s20+$0xFFFFFFD0] =	vst v5  }
0x2f: {  	v8 =	vld.idx.msk [tilespmem:v0+s19+$0xFFFFFFC0 ss:$0x1], $0xffff;
	[tilespmem:s20+$0xFFFFFFE0] =	vst v4  }
0x30: {  	v5 =	vld.idx.msk [tilespmem:v0+s19+$0xFFFFFFD0 ss:$0x1], $0xffff;
	[tilespmem:s20+$0xFFFFFFF0] =	vst v3  }
.Ltmp3:
0x31: {  	v4 =	vld.idx.msk [tilespmem:v0+s19+$0xFFFFFFE0 ss:$0x1], $0xffff;
	[tilespmem:s20+$0x0] =	vst v1;
	(pc) =	sbr.rel @p1 .LBB1_5-.Ltmp3, $4  }
0x32: {  	v3 =	vld.idx.msk [tilespmem:v0+s19+$0xFFFFFFF0 ss:$0x1], $0xffff;
	[tilespmem:s20+$0x10] =	vst v2  }
0x33: {  	v1 =	vld.idx.msk [tilespmem:v0+s19+$0x0 ss:$0x1], $0xffff;
	[tilespmem:s20+$0x20] =	vst v6;
	s20 =	sadd.s32 $0x400, s20  }
0x34: {  	v2 =	vld.idx.msk [tilespmem:v0+s19+$0x10 ss:$0x1], $0xffff;
	[tilespmem:s20+$0x30] =	vst v7  }
0x35: {  	[tilespmem:s20+$0xFFFFFFC0] =	vst v8;
	v6 =	vld.idx.msk [tilespmem:v0+s19+$0x20 ss:$0x1], $0xffff;
	s19 =	sshra.s32 s21, $0x2;
	s21 =	sadd.s32 $0x200, s21  }
0x36: {  	_ =	sdelay $0x2  }
0x37: {  	[tilespmem:s20+$0xFFFFFFD0] =	vst v5  }
0x38: {  	v56 =	vld.idx.msk [tilespmem:v0+s19+$0x30 ss:$0x1], $0xffff;
	[tilespmem:s20+$0xFFFFFFE0] =	vst v4  }
0x39: {  	v57 =	vld.idx.msk [tilespmem:v0+s19+$0xFFFFFFC0 ss:$0x1], $0xffff;
	[tilespmem:s20+$0xFFFFFFF0] =	vst v3  }
0x3a: {  	v58 =	vld.idx.msk [tilespmem:v0+s19+$0xFFFFFFD0 ss:$0x1], $0xffff;
	[tilespmem:s20+$0x0] =	vst v1  }
0x3b: {  	v59 =	vld.idx.msk [tilespmem:v0+s19+$0xFFFFFFE0 ss:$0x1], $0xffff;
	[tilespmem:s20+$0x10] =	vst v2  }
0x3c: {  	v60 =	vld.idx.msk [tilespmem:v0+s19+$0xFFFFFFF0 ss:$0x1], $0xffff;
	s31 =	sadd.s32 $0x400, s20;
	[tilespmem:s20+$0x20] =	vst v6  }
0x3d: {  	v61 =	vld.idx.msk [tilespmem:v0+s19+$0x0 ss:$0x1], $0xffff;
	[tilespmem:s31+$0x30] =	vst v56  }
0x3e: {  	v62 =	vld.idx.msk [tilespmem:v0+s19+$0x10 ss:$0x1], $0xffff;
	s18 =	sadd.s32 $0x1, s18;
	[tilespmem:s31+$0xFFFFFFC0] =	vst v57  }
0x3f: {  	v63 =	vld.idx.msk [tilespmem:v0+s19+$0x20 ss:$0x1], $0xffff;
	p1 =	sne.s32 s18, $0x8;
	[tilespmem:s31+$0xFFFFFFD0] =	vst v58  }
.Ltmp4:
0x40: {  	[tilespmem:s31+$0xFFFFFFE0] =	vst v59;
	(pc) =	sbr.rel @p1 .LBB1_4-.Ltmp4, $4  }
0x41: {  	[tilespmem:s31+$0xFFFFFFF0] =	vst v60  }
0x42: {  	[tilespmem:s31+$0x0] =	vst v61  }
0x43: {  	[tilespmem:s31+$0x10] =	vst v62  }
0x44: {  	s16 =	sadd.s32 $0x80, s16;
	s17 =	sadd.s32 $0x400, s17;
	[tilespmem:s31+$0x20] =	vst v63  }
.Ltmp5:
0x45: {  	(pc) =	sbr.rel @p0 .LBB1_3-.Ltmp5, $2  }
0x46: {  	_ =	sdelay $0x2  }
0x47: {  	s16 =	simm.s32 $0x2000;
	p1 =	por $0x0, $0x0  }
.Ltmp6:
0x48: {  	(pc) =	sbr.rel .LBB1_9-.Ltmp6, $4  }
0x49: {  	_ = 	snop  }
0x4a: {  	s12 =	sshll.u32 s12, $0xA  }
0x4b: {  	s12 =	sadd.s32 s4, s12  }
0x4c: {  	[hbm4b:s12+s8] =	stream.linear.scatter [tilespmem:s13], [sflag:$0x2], $0x4000, $0x38;
	[tilespmem:$0x10000] =	vst v63  }
.LBB1_10:
0x4d: {  	_ =	sfence.sel $0x180000  }
0x4e: {  	s2 =	simm.s32 $0x1;
	[bflag:$0x0] =	sbarrier.arrive $0xFFFF  }
0x4f: {  	s31 =	simm.s32 $0x2;
	[sflag:s2] =	ssyncpa.u1 $0x1  }
0x50: {  	[sflag:s31] =	ssyncpa.u1 $0x1  }
0x51: {  	p0 =	sne.s32 s0, $0x0;
	_ =	strace $0x9000004A  }
0x52: {  	s0 =	sadd.s32 @!p0 $0x100000, s1;
	[bflag:$0x2] =	sbarrier.arrive $0xFFFF  }
0x53: {  	[sflag:s0] =	ssyncadd.tile.s32 @!p0 $0x1;
	_ =	shalt  }
.Lfunc_end1:
_tile_overlayer_lowered:
.L_overlay_start_2:
0x54: {  	(tag) =	ssettag $0x2  }
0x55: {  	s0 =	rddreg [dreg:$0x0];
	s2 =	stileid.u32  }
0x56: {  	s1 =	rddreg [dreg:$0x1];
	p0 =	sne.s32 s2, $0x0  }
0x57: {  	s3 =	rddreg [dreg:$0x2];
	[bflag:$0x3] =	sbarrier.arrive $0xFFFF;
	s2 =	simm.s32 @!p0 $0x1C01  }
0x58: {  	[timem:s3], [sflag:s2] =	dma.local @!p0 [hbm:s0], s1  }
0x59: {  	s0 =	simm.s32 @!p0 $0x1  }
0x5a: {  	_ =	swait.ge @!p0 [sflag:s0], s1  }
0x5b: {  	s1 =	ssub.s32 @!p0 $0x0, s1;
	[sflag:s0] =	ssyncset.done @!p0 $0x0  }
0x5c: {  	[sflag:s0] =	ssyncadd.s32 @!p0 s1  }
0x5d: {  	[bflag:$0x3] =	sbarrier.arrive $0xFFFF  }
0x5e: {  	_ =	shalt  }

// kernel: sparse-core-data-format-call.cloned.1.call-start
scs
called_computation_lowered:
.L_overlay_start_0:
0x0: {  	s2 =	sld [smem:$0x3FD9]  }
0x1: {  	s3 =	sld [smem:$0x3FFE];
	_ =	sdelay $0x1  }
0x2: {  	s1 =	srdreg.scid  }
0x3: {  	s0 =	sand.u32 $0x1, s1  }
0x4: {  	s18 =	sshll.u32 s0, $0xA;
	s2 =	sadd.s32 s3, s2  }
0x5: {  	s2 =	sadd.s32 s2, s18  }
0x6: {  	[smem:$0x3FC6] =	sst s2  }
0x7: {  	_ = 	snop  }
0x8: {  	s2 =	sld [smem:$0x3FC8];
	(tm) =	ssettm $0x1  }
0x9: {  	s19 =	sld [smem:$0x3FFB];
	_ =	sdelay $0x3  }
0xa: {  	_ =	strace s19  }
0xb: {  	s3 =	sld [smem:$0x3FFC];
	_ =	sdelay $0x3  }
0xc: {  	_ =	strace s3  }
0xd: {  	s3 =	sld [smem:$0x3FFD];
	_ =	sdelay $0x3  }
0xe: {  	_ =	strace s3  }
0xf: {  	_ =	strace $0x8FFFFFFF  }
0x10: {  	s20 =	sld [smem:$0x3FDB];
	_ =	sdelay $0x1  }
0x11: {  	s4 =	simm.s32 $_scs_section_size  }
0x12: {  	s5 =	simm.s32 $_size__tile_overlayer_lowered;
	s6 =	simm.s32 $_tile_overlayer_lowered  }
0x13: {  	s23 =	simm.s32 $0x1BFF;
	s22 =	sshll.u32 s6, $0x1;
	s3 =	sadd.s32 s4, s20  }
0x14: {  	s7 =	simm.s32 $0x0;
	s21 =	sshll.u32 s5, $0x1;
	s5 =	sadd.s32 s22, s3  }
0x15: {  	[timem:s7], [sflag:s23] =	dma.local [hbm:s5], s21  }
0x16: {  	_ =	swait.ge [sflag:s23], s21  }
0x17: {  	s4 =	ssub.s32 $0x0, s21;
	[sflag:s23] =	ssyncset.done $0x0  }
0x18: {  	[sflag:s23] =	ssyncadd.s32 s4;
	_ =	sdelay $0x1  }
0x19: {  	s24 =	simm.s32 $0x1B8B  }
0x1a: {  	_ =	swait.ge [sflag:s24], $0x1  }
0x1b: {  	[sflag:s24] =	ssyncset.done $0x0  }
0x1c: {  	s26 =	simm.s32 $0x1B8E;
	s25 =	sld [smem:$0x3FFE];
	[sflag:s24] =	ssyncadd.s32 $0xFFFFFFFF  }
0x1d: {  	s27 =	simm.s32 $execute0_lowered;
	[smem:$0x3FD2] =	sst s26  }
0x1e: {  	s5 =	sshll.u32 s27, $0x1;
	_ =	strace $0x80000046;
	[dreg:$0x1] =	wrdreg $0xFFFFFFFF  }
0x1f: {  	s28 =	simm.s32 $_size_execute0_lowered;
	s3 =	sadd.s32 s3, s5;
	[dreg:$0x0] =	wrdreg $0x0  }
0x20: {  	s5 =	sshll.u32 s28, $0x1;
	[dreg:$0x2] =	wrdreg s3  }
0x21: {  	[dreg:$0x3] =	wrdreg s5  }
0x22: {  	[dreg:$0x4] =	wrdreg $0xC0  }
0x23: {  	_ =	task [dreg:s7], $0x5FFFF  }
0x24: {  	[dreg:$0x1] =	wrdreg $0xFFFFFFFF  }
0x25: {  	[dreg:$0x0] =	wrdreg $0x60  }
0x26: {  	[dreg:$0x2] =	wrdreg s2  }
0x27: {  	[dreg:$0x3] =	wrdreg s25  }
0x28: {  	[dreg:$0x4] =	wrdreg $0x9  }
0x29: {  	_ =	task.clear_ibuf [dreg:s7], $0x5FFFF;
	_ =	strace $0x90000046  }
0x2a: {  	s29 =	simm.s32 $0x9;
	_ =	strace $0x80000048  }
0x2b: {  	_ =	swait.ge [sflag:s29], $0x1  }
0x2c: {  	[sflag:s29] =	ssyncadd.s32 $0xFFFFFFFF  }
0x2d: {  	_ =	strace $0x90000048  }
0x2e: {  	_ =	sfence  }
0x2f: {  	s30 =	sld [smem:$0x0];
	_ =	sdelay $0x2  }
0x30: {  	s31 =	sshll.u32 s1, $0xD;
	s1 =	sshrl.u32 s1, $0x2  }
0x31: {  	s3 =	sand.u32 $0x4000, s31;
	s1 =	sadd.s32 s1, s30  }
0x32: {  	s0 =	sor.u32 s3, s0;
	s1 =	sshll.u32 s1, $0x11  }
0x33: {  	s0 =	sor.u32 s1, s0  }
0x34: {  	s0 =	sadd.s32 $0x8F2B, s0  }
0x35: {  	[sflag:s0] =	ssyncadd.remote.s32 $0x1  }
0x36: {  	_ =	sfence.sel $0xFFFF  }
0x37: {  	[dreg:$0x0] =	wrdreg $0xFFFFFFFF;
	(pc) =	sbr.abs _section_cstart, $3  }
0x38: {  	[dreg:$0x1] =	wrdreg $0xFFFFFFFF  }
0x39: {  	_ =	task.clear_ibuf [dreg:s7], $0x2FFFF;
	_ =	strace $0x9FFFFFFF  }
0x3a: {  	(tm) =	ssettm $0x7FFFFFFF  }
0x3b: {  	_ =	shalt  }
tec
execute0_lowered:
.L_overlay_start_1:
0x0: {  	(tag) =	ssettag $0x1  }
0x1: {  	s0 =	srdreg.scid  }
0x2: {  	s1 =	sshll.u32 s0, $0x4  }
0x3: {  	s2 =	rddreg [dreg:$0x0];
	s0 =	stileid.u32;
	s1 =	sand.u32 $0x10, s1  }
0x4: {  	s4 =	rddreg [dreg:$0x1];
	s7 =	simm.s32 $0x1;
	s1 =	sor.u32 s0, s1  }
0x5: {  	s8 =	simm.s32 $0x2;
	s9 =	simm.s32 $0x0;
	s3 =	sshll.u32 s1, $0x1  }
0x6: {  	s12 =	simm.s32 $0x0;
	s11 =	simm.s32 $0x0;
	s6 =	ssub.s32 $0x400, s3  }
.Ltmp0:
0x7: {  	s4 =	sadd.s32 $0xC00, s4;
	s5 =	sand.u32 $0x3E, s6;
	(pc) =	sbr.rel .LBB1_1-.Ltmp0, $4  }
0x8: {  	s1 =	rddreg [dreg:$0x2];
	_ =	strace $0x80000047;
	p0 =	sne.s32 s5, $0x0  }
0x9: {  	s6 =	sshrl.u32 s6, $0x6;
	s5 =	simm.s32 $0x1;
	s7 =	simm.s32 @!p0 $0x0  }
0xa: {  	s10 =	smov.u32 s3;
	[sflag:s5] =	ssyncpa.u1 $0x0;
	s6 =	sadd.s32 s7, s6  }
0xb: {  	[sflag:s8] =	ssyncpa.u1 $0x0;
	s8 =	simm.s32 $0x0;
	s7 =	sadd.s32 $0x1, s6  }
.LBB1_9:
0xc: {  	s14 =	sadd.s32 $0x40, s10  }
0xd: {  	p1 =	sgt.s32 s14, $0x3FF  }
0xe: {  	s14 =	smov.u32 @p1 s3;
	p1 =	sne.s32 s11, s7  }
.Ltmp1:
0xf: {  	p0 =	slt.u32 s11, $0x2;
	(pc) =	sbr.rel @!p1 .LBB1_10-.Ltmp1, $4  }
0x10: {  	s13 =	simm.s32 @!p0 $0x2  }
0x11: {  	s15 =	sadd.s32 $0x1, s11;
	_ =	swait.ge @!p0 [sflag:s13], $0x4000  }
0x12: {  	s12 =	smov.u32 s10;
	s9 =	sadd.s32 $0x4000, s9;
	[sflag:s13] =	ssyncset.done @!p0 $0x0  }
0x13: {  	s11 =	smov.u32 s15;
	s10 =	smov.u32 s14;
	[sflag:s13] =	ssyncadd.s32 @!p0 $0xFFFFC000  }
.LBB1_1:
0x14: {  	p0 =	sge.u32 s11, s6  }
0x15: {  	s13 =	sxor.u32 @!p0 $0xFFFFFFFF, s11  }
0x16: {  	s31 =	sadd.s32 $0xFFFFFFFF, s11;
	s14 =	sshll.u32 @!p0 s10, $0xA;
	s13 =	sshll.u32 @!p0 s13, $0xE  }
0x17: {  	s15 =	simm.s32 @!p0 $0x0;
	s14 =	sadd.s32 @!p0 s2, s14;
	s13 =	sand.u32 @!p0 $0x4000, s13  }
0x18: {  	[tilespmem:s13], [sflag:$0x1] =	stream.linear.gather @!p0 [hbm4b:s14+s15], $0x4000, $0x38;
	[tilespmem:$0x10000] =	vst v63  }
0x19: {  	p0 =	sge.u32 s31, s6  }
.Ltmp2:
0x1a: {  	_ = 	snop;
	(pc) =	sbr.rel @p0 .LBB1_9-.Ltmp2, $1  }
0x1b: {  	_ =	sdelay $0x3  }
0x1c: {  	s13 =	sshll.u32 s9, $0x2  }
0x1d: {  	_ =	swait.ge [sflag:s5], $0x4000;
	s14 =	sshll.u32 s11, $0xE;
	s16 =	simm.s32 $0x0  }
0x1e: {  	p1 =	por $0x1, $0x1;
	s13 =	sand.u32 $0x10000, s13;
	[sflag:s5] =	ssyncset.done $0x0  }
0x1f: {  	s14 =	sand.u32 $0x4000, s14;
	s15 =	sshrl.u32 s13, $0x2;
	[sflag:s5] =	ssyncadd.s32 $0xFFFFC000  }
0x20: {  	s13 =	sor.u32 $0x8000, s14;
	s14 =	sadd.s32 $0x8040, s15;
	s15 =	sadd.s32 $0x40, s15  }
.LBB1_3:
0x21: {  	s16 =	sshll.u32 s16, $0x2  }
0x22: {  	p0 =	por p1, p1;
	s17 =	sshra.s32 s16, $0x2  }
0x23: {  	s18 =	simm.s32 $0x0;
	s16 =	sadd.s32 s17, s14;
	s17 =	sadd.s32 s17, s15  }
.LBB1_4:
0x24: {  	v0 =	vmov s17;
	_ =	sdelay $0x3  }
0x25: {  	s20 =	simm.s32 $0x0  }
0x26: {  	v6 =	vld.idx.msk [tilespmem:v0+s20+$0x30 ss:$0x1], $0xffff  }
0x27: {  	v7 =	vld.idx.msk [tilespmem:v0+s20+$0xFFFFFFC0 ss:$0x1], $0xffff  }
0x28: {  	v5 =	vld.idx.msk [tilespmem:v0+s20+$0xFFFFFFD0 ss:$0x1], $0xffff  }
0x29: {  	v4 =	vld.idx.msk [tilespmem:v0+s20+$0xFFFFFFE0 ss:$0x1], $0xffff  }
0x2a: {  	v3 =	vld.idx.msk [tilespmem:v0+s20+$0xFFFFFFF0 ss:$0x1], $0xffff  }
0x2b: {  	v1 =	vld.idx.msk [tilespmem:v0+s20+$0x0 ss:$0x1], $0xffff  }
0x2c: {  	v2 =	vld.idx.msk [tilespmem:v0+s20+$0x10 ss:$0x1], $0xffff;
	[tilespmem:s16+$0x30] =	vst v6  }
0x2d: {  	s19 =	simm.s32 $0x80;
	s21 =	simm.s32 $0x400;
	[tilespmem:s16+$0xFFFFFFC0] =	vst v7;
	v6 =	vld.idx.msk [tilespmem:v0+s20+$0x20 ss:$0x1], $0xffff;
	s20 =	smov.u32 s16  }
.LBB1_5:
0x2e: {  	p1 =	sne.s32 s21, $0xE00;
	v7 =	vld.idx.msk [tilespmem:v0+s19+$0x30 ss:$0x1], $0xffff;
	[tilespmem:s20+$0xFFFFFFD0] =	vst v5  }
0x2f: {  	v8 =	vld.idx.msk [tilespmem:v0+s19+$0xFFFFFFC0 ss:$0x1], $0xffff;
	[tilespmem:s20+$0xFFFFFFE0] =	vst v4  }
0x30: {  	v5 =	vld.idx.msk [tilespmem:v0+s19+$0xFFFFFFD0 ss:$0x1], $0xffff;
	[tilespmem:s20+$0xFFFFFFF0] =	vst v3  }
.Ltmp3:
0x31: {  	v4 =	vld.idx.msk [tilespmem:v0+s19+$0xFFFFFFE0 ss:$0x1], $0xffff;
	[tilespmem:s20+$0x0] =	vst v1;
	(pc) =	sbr.rel @p1 .LBB1_5-.Ltmp3, $4  }
0x32: {  	v3 =	vld.idx.msk [tilespmem:v0+s19+$0xFFFFFFF0 ss:$0x1], $0xffff;
	[tilespmem:s20+$0x10] =	vst v2  }
0x33: {  	v1 =	vld.idx.msk [tilespmem:v0+s19+$0x0 ss:$0x1], $0xffff;
	[tilespmem:s20+$0x20] =	vst v6;
	s20 =	sadd.s32 $0x400, s20  }
0x34: {  	v2 =	vld.idx.msk [tilespmem:v0+s19+$0x10 ss:$0x1], $0xffff;
	[tilespmem:s20+$0x30] =	vst v7  }
0x35: {  	[tilespmem:s20+$0xFFFFFFC0] =	vst v8;
	v6 =	vld.idx.msk [tilespmem:v0+s19+$0x20 ss:$0x1], $0xffff;
	s19 =	sshra.s32 s21, $0x2;
	s21 =	sadd.s32 $0x200, s21  }
0x36: {  	_ =	sdelay $0x2  }
0x37: {  	[tilespmem:s20+$0xFFFFFFD0] =	vst v5  }
0x38: {  	v56 =	vld.idx.msk [tilespmem:v0+s19+$0x30 ss:$0x1], $0xffff;
	[tilespmem:s20+$0xFFFFFFE0] =	vst v4  }
0x39: {  	v57 =	vld.idx.msk [tilespmem:v0+s19+$0xFFFFFFC0 ss:$0x1], $0xffff;
	[tilespmem:s20+$0xFFFFFFF0] =	vst v3  }
0x3a: {  	v58 =	vld.idx.msk [tilespmem:v0+s19+$0xFFFFFFD0 ss:$0x1], $0xffff;
	[tilespmem:s20+$0x0] =	vst v1  }
0x3b: {  	v59 =	vld.idx.msk [tilespmem:v0+s19+$0xFFFFFFE0 ss:$0x1], $0xffff;
	[tilespmem:s20+$0x10] =	vst v2  }
0x3c: {  	v60 =	vld.idx.msk [tilespmem:v0+s19+$0xFFFFFFF0 ss:$0x1], $0xffff;
	s31 =	sadd.s32 $0x400, s20;
	[tilespmem:s20+$0x20] =	vst v6  }
0x3d: {  	v61 =	vld.idx.msk [tilespmem:v0+s19+$0x0 ss:$0x1], $0xffff;
	[tilespmem:s31+$0x30] =	vst v56  }
0x3e: {  	v62 =	vld.idx.msk [tilespmem:v0+s19+$0x10 ss:$0x1], $0xffff;
	s18 =	sadd.s32 $0x1, s18;
	[tilespmem:s31+$0xFFFFFFC0] =	vst v57  }
0x3f: {  	v63 =	vld.idx.msk [tilespmem:v0+s19+$0x20 ss:$0x1], $0xffff;
	p1 =	sne.s32 s18, $0x8;
	[tilespmem:s31+$0xFFFFFFD0] =	vst v58  }
.Ltmp4:
0x40: {  	[tilespmem:s31+$0xFFFFFFE0] =	vst v59;
	(pc) =	sbr.rel @p1 .LBB1_4-.Ltmp4, $4  }
0x41: {  	[tilespmem:s31+$0xFFFFFFF0] =	vst v60  }
0x42: {  	[tilespmem:s31+$0x0] =	vst v61  }
0x43: {  	[tilespmem:s31+$0x10] =	vst v62  }
0x44: {  	s16 =	sadd.s32 $0x80, s16;
	s17 =	sadd.s32 $0x400, s17;
	[tilespmem:s31+$0x20] =	vst v63  }
.Ltmp5:
0x45: {  	(pc) =	sbr.rel @p0 .LBB1_3-.Ltmp5, $2  }
0x46: {  	_ =	sdelay $0x2  }
0x47: {  	s16 =	simm.s32 $0x2000;
	p1 =	por $0x0, $0x0  }
.Ltmp6:
0x48: {  	(pc) =	sbr.rel .LBB1_9-.Ltmp6, $4  }
0x49: {  	_ = 	snop  }
0x4a: {  	s12 =	sshll.u32 s12, $0xA  }
0x4b: {  	s12 =	sadd.s32 s4, s12  }
0x4c: {  	[hbm4b:s12+s8] =	stream.linear.scatter [tilespmem:s13], [sflag:$0x2], $0x4000, $0x38;
	[tilespmem:$0x10000] =	vst v63  }
.LBB1_10:
0x4d: {  	_ =	sfence.sel $0x180000  }
0x4e: {  	s2 =	simm.s32 $0x1;
	[bflag:$0x0] =	sbarrier.arrive $0xFFFF  }
0x4f: {  	s31 =	simm.s32 $0x2;
	[sflag:s2] =	ssyncpa.u1 $0x1  }
0x50: {  	[sflag:s31] =	ssyncpa.u1 $0x1  }
0x51: {  	p0 =	sne.s32 s0, $0x0;
	_ =	strace $0x90000047  }
0x52: {  	s0 =	sadd.s32 @!p0 $0x100000, s1;
	[bflag:$0x2] =	sbarrier.arrive $0xFFFF  }
0x53: {  	[sflag:s0] =	ssyncadd.tile.s32 @!p0 $0x1;
	_ =	shalt  }
.Lfunc_end1:
_tile_overlayer_lowered:
.L_overlay_start_2:
0x54: {  	(tag) =	ssettag $0x2  }
0x55: {  	s0 =	rddreg [dreg:$0x0];
	s2 =	stileid.u32  }
0x56: {  	s1 =	rddreg [dreg:$0x1];
	p0 =	sne.s32 s2, $0x0  }
0x57: {  	s3 =	rddreg [dreg:$0x2];
	[bflag:$0x3] =	sbarrier.arrive $0xFFFF;
	s2 =	simm.s32 @!p0 $0x1C01  }
0x58: {  	[timem:s3], [sflag:s2] =	dma.local @!p0 [hbm:s0], s1  }
0x59: {  	s0 =	simm.s32 @!p0 $0x1  }
0x5a: {  	_ =	swait.ge @!p0 [sflag:s0], s1  }
0x5b: {  	s1 =	ssub.s32 @!p0 $0x0, s1;
	[sflag:s0] =	ssyncset.done @!p0 $0x0  }
0x5c: {  	[sflag:s0] =	ssyncadd.s32 @!p0 s1  }
0x5d: {  	[bflag:$0x3] =	sbarrier.arrive $0xFFFF  }
0x5e: {  	_ =	shalt  }

</sc_bundles>
